<compile_context>
chip_gen: v7x
topology: tpu7x:2x2x1
jax: 0.10.2.dev20260603
libtpu: 0.0.44.dev20260713+nightly
codegen_flags: <defaults>
</compile_context>

<pallas_src>
import functools

import jax
import jax.numpy as jnp
from jax import lax
from jax.experimental import pallas as pl
from jax.experimental.pallas import tpu as pltpu
from jax.experimental.pallas import tpu_sc as plsc

B = 100
L = 50
DIM = 128
SAMPLE_NUM = 12

NW = 32
P1 = 200
P2 = 1920

RING = 3
DEPTH = 2
CHB = 240
NCHB = P2 // CHB


def _sc_gather(emb, ids1, idsi, idx2, adj_flat, num_flat,
               h_out, item_out, neigh_out, w_out,
               idx1_v, idxi_v, idx2_v, nid2, wbuf, nbuf,
               isem, nsem, wsem, *ring_sems):
    wid = lax.axis_index("s") * 2 + lax.axis_index("c")
    b1 = wid * P1
    b2 = wid * P2
    gsems = list(ring_sems[:RING])
    osems = list(ring_sems[RING:])

    ih = [pltpu.async_copy(ids1.at[pl.ds(b1, P1)], idx1_v, isem),
          pltpu.async_copy(idsi.at[pl.ds(b1, P1)], idxi_v, isem),
          pltpu.async_copy(idx2.at[pl.ds(b2, P2)], idx2_v, isem)]
    for h in ih:
        h.wait()

    nh = [pltpu.async_copy(adj_flat.at[idx2_v], nid2, nsem)]
    wh = [pltpu.async_copy(num_flat.at[idx2_v], wbuf, wsem)]

    jobs = [(lambda: idx1_v, P1, h_out, b1),
            (lambda: idxi_v, P1, item_out, b1)]
    for c in range(NCHB):
        jobs.append(((lambda c=c: nid2.at[pl.ds(c * CHB, CHB)]), CHB,
                     neigh_out, b2 + c * CHB))
    nj = len(jobs)
    N_FIRST_NEIGH = 2

    gh = [None] * nj
    oh = [None] * nj

    def fire(c):
        idx_thunk, n, _, _ = jobs[c]
        if c == N_FIRST_NEIGH:
            for h in nh:
                h.wait()
        s = c % RING
        gh[c] = pltpu.async_copy(emb.at[idx_thunk()],
                                 nbuf.at[s, pl.ds(0, n)], gsems[s])

    for c in range(DEPTH):
        fire(c)
    for c in range(nj):
        gh[c].wait()
        _, n, oref, oo = jobs[c]
        s = c % RING
        oh[c] = pltpu.async_copy(nbuf.at[s, pl.ds(0, n)],
                                 oref.at[pl.ds(oo, n)], osems[s])
        nxt = c + DEPTH
        if nxt < nj:
            if nxt - RING >= 0:
                oh[nxt - RING].wait()
            fire(nxt)
    for c in range(max(0, nj - RING), nj):
        if oh[c] is not None:
            oh[c].wait()

    for h in wh:
        h.wait()
    pltpu.sync_copy(wbuf, w_out.at[pl.ds(b2, P2)])


def _tc_body(h_ref, item_ref, neigh_ref, w_ref, adj_ref, mask_ref, a_ref,
             gw1a_ref, gw1b_ref, gw2r_ref, gw3a_ref, gw3b_ref, out_ref):
    f32 = jnp.float32
    dn_nt = (((1,), (1,)), ((), ()))
    dn_nn = (((1,), (0,)), ((), ()))

    h = h_ref[0]
    adj = adj_ref[0]
    a = a_ref[...]

    es = []
    for k in range(4):
        hk = h * a[k][None, :]
        es.append(lax.dot_general(hk, h, dn_nt, preferred_element_type=f32))
    neg = jnp.full_like(es[0], -9e15)
    alpha = jnp.where(adj == 1, es[0], neg)
    alpha = jnp.where(adj == 2, es[1], alpha)
    alpha = jnp.where(adj == 3, es[2], alpha)
    alpha = jnp.where(adj == 4, es[3], alpha)
    m = jnp.max(alpha, axis=-1, keepdims=True)
    ex = jnp.exp(alpha - m)
    aw = ex / jnp.sum(ex, axis=-1, keepdims=True)
    h_local = lax.dot_general(aw, h, dn_nn, preferred_element_type=f32)

    mask = mask_ref[0]
    item = item_ref[0]
    s = lax.dot_general(mask, item, dn_nn, preferred_element_type=f32)
    s = s / jnp.sum(mask)

    n = neigh_ref[...]
    sn = n * s
    a1 = lax.dot_general(sn, gw1a_ref[...], dn_nn, preferred_element_type=f32)
    a1 = a1.reshape(L, SAMPLE_NUM, DIM)
    w = w_ref[0]
    a1 = a1 + w[:, :, None] * gw1b_ref[...][None]
    l1 = jnp.where(a1 >= 0, a1, 0.2 * a1)
    a2 = jnp.sum(l1 * gw2r_ref[...][None], axis=-1)
    m2 = jnp.max(a2, axis=-1, keepdims=True)
    e2 = jnp.exp(a2 - m2)
    aw2 = e2 / jnp.sum(e2, axis=-1, keepdims=True)
    n3 = n.reshape(L, SAMPLE_NUM, DIM)
    nv = jnp.sum(aw2[:, :, None] * n3, axis=1)

    og = (lax.dot_general(h, gw3a_ref[...], dn_nn, preferred_element_type=f32)
          + lax.dot_general(nv, gw3b_ref[...], dn_nn, preferred_element_type=f32))
    out_ref[0] = jnp.maximum(og, 0.0) + h_local


def kernel(inputs, adj, mask_item, item, adj_all, num, embedding,
           a_0, a_1, a_2, a_3, gw1, gw2, gw3):
    f32 = jnp.float32
    flat = inputs.reshape(-1).astype(jnp.int32)
    item_flat = item.reshape(-1).astype(jnp.int32)
    idx2 = (flat[:, None] * SAMPLE_NUM
            + jnp.arange(SAMPLE_NUM, dtype=jnp.int32)[None, :]).reshape(-1)

    ids1 = jnp.pad(flat, (0, NW * P1 - B * L))
    idsi = jnp.pad(item_flat, (0, NW * P1 - B * L))
    idx2p = jnp.pad(idx2, (0, NW * P2 - B * L * SAMPLE_NUM))
    adj_flat = adj_all.reshape(-1).astype(jnp.int32)
    num_flat = num.reshape(-1).astype(f32)

    mesh = plsc.VectorSubcoreMesh(core_axis_name="c", subcore_axis_name="s")
    gather = functools.partial(
        pl.kernel, mesh=mesh,
        out_type=[
            jax.ShapeDtypeStruct((NW * P1, DIM), f32),
            jax.ShapeDtypeStruct((NW * P1, DIM), f32),
            jax.ShapeDtypeStruct((NW * P2, DIM), f32),
            jax.ShapeDtypeStruct((NW * P2,), f32),
        ],
        scratch_types=[
            pltpu.VMEM((P1,), jnp.int32),
            pltpu.VMEM((P1,), jnp.int32),
            pltpu.VMEM((P2,), jnp.int32),
            pltpu.VMEM((P2,), jnp.int32),
            pltpu.VMEM((P2,), f32),
            pltpu.VMEM((RING, CHB, DIM), f32),
        ] + [pltpu.SemaphoreType.DMA] * (3 + 2 * RING),
    )(_sc_gather)
    h_rows, item_rows, neigh_rows, w_vals = gather(
        embedding, ids1, idsi, idx2p, adj_flat, num_flat)

    a_cat = jnp.stack([a_0[:, 0], a_1[:, 0], a_2[:, 0], a_3[:, 0]], axis=0)
    gw1a = gw1[:DIM]
    gw1b = gw1[DIM:]
    gw2r = gw2.reshape(1, DIM)
    gw3a = gw3[:DIM]
    gw3b = gw3[DIM:]
    h3 = h_rows.reshape(NW * P1 // L, L, DIM)
    item3 = item_rows.reshape(NW * P1 // L, L, DIM)
    w3 = w_vals[:B * L * SAMPLE_NUM].reshape(B, L, SAMPLE_NUM)
    mask3 = mask_item.reshape(B, 1, L).astype(f32)

    out = pl.pallas_call(
        _tc_body,
        grid=(B,),
        in_specs=[
            pl.BlockSpec((1, L, DIM), lambda b: (b, 0, 0)),
            pl.BlockSpec((1, L, DIM), lambda b: (b, 0, 0)),
            pl.BlockSpec((L * SAMPLE_NUM, DIM), lambda b: (b, 0)),
            pl.BlockSpec((1, L, SAMPLE_NUM), lambda b: (b, 0, 0)),
            pl.BlockSpec((1, L, L), lambda b: (b, 0, 0)),
            pl.BlockSpec((1, 1, L), lambda b: (b, 0, 0)),
            pl.BlockSpec((4, DIM), lambda b: (0, 0)),
            pl.BlockSpec((DIM, DIM), lambda b: (0, 0)),
            pl.BlockSpec((1, DIM), lambda b: (0, 0)),
            pl.BlockSpec((1, DIM), lambda b: (0, 0)),
            pl.BlockSpec((DIM, DIM), lambda b: (0, 0)),
            pl.BlockSpec((DIM, DIM), lambda b: (0, 0)),
        ],
        out_specs=pl.BlockSpec((1, L, DIM), lambda b: (b, 0, 0)),
        out_shape=jax.ShapeDtypeStruct((B, L, DIM), f32),
    )(h3, item3, neigh_rows, w3, adj.astype(jnp.int32), mask3,
      a_cat, gw1a, gw1b, gw2r, gw3a, gw3b)
    return out

# --- scband reference (transcript-rebuilt; emitter-appended) ---
"""Pipeline reference for scband-combine-graph-6734508720774 (READ-ONLY COPY).

The authoritative reference and input builder live on the scoring server;
editing this copy changes nothing except your own understanding.
"""

import jax, jax.numpy as jnp
import numpy as np

B = 100
L = 50
DIM = 128
NUM_NODE = 50000
HOP = 1
SAMPLE_NUM = 12
ALPHA = 0.2


def leaky_relu(x, slope):
    return jnp.where(x >= 0, x, slope * x)


def setup_inputs(seed: int = 0) -> dict:
    key = jax.random.key(seed)
    ks = jax.random.split(key, 16)
    stdv = 1.0 / np.sqrt(DIM)

    def u(k, shape):
        return jax.random.uniform(k, shape, minval=-stdv, maxval=stdv, dtype=jnp.float32)

    inputs = jax.random.randint(ks[0], (B, L), 0, NUM_NODE)
    adj = jax.random.randint(ks[1], (B, L, L), 0, 5)
    mask_item = jnp.ones((B, L), dtype=jnp.float32)
    item = jax.random.randint(ks[2], (B, L), 0, NUM_NODE)
    adj_all = jax.random.randint(ks[3], (NUM_NODE, SAMPLE_NUM), 0, NUM_NODE)
    num = jax.random.uniform(ks[4], (NUM_NODE, SAMPLE_NUM), dtype=jnp.float32)
    embedding = u(ks[5], (NUM_NODE, DIM))
    a_0 = u(ks[6], (DIM, 1))
    a_1 = u(ks[7], (DIM, 1))
    a_2 = u(ks[8], (DIM, 1))
    a_3 = u(ks[9], (DIM, 1))
    gw1 = u(ks[10], (DIM + 1, DIM))
    gw2 = u(ks[11], (DIM, 1))
    gw3 = u(ks[12], (2 * DIM, DIM))
    return {"inputs": inputs, "adj": adj, "mask_item": mask_item, "item": item,
            "adj_all": adj_all, "num": num, "embedding": embedding,
            "a_0": a_0, "a_1": a_1, "a_2": a_2, "a_3": a_3,
            "gw1": gw1, "gw2": gw2, "gw3": gw3}


def _local_agg(h, adj, a_0, a_1, a_2, a_3):
    # a_input[b,i,j,:] = h[b,i,:] * h[b,j,:]  (GAT-style pairwise interaction)
    a_input = h[:, :, None, :] * h[:, None, :, :]
    e0 = leaky_relu(jnp.squeeze(a_input @ a_0, -1), ALPHA)
    e1 = leaky_relu(jnp.squeeze(a_input @ a_1, -1), ALPHA)
    e2 = leaky_relu(jnp.squeeze(a_input @ a_2, -1), ALPHA)
    e3 = leaky_relu(jnp.squeeze(a_input @ a_3, -1), ALPHA)
    mask = jnp.full_like(e0, -9e15)
    alpha = jnp.where(adj == 1, e0, mask)
    alpha = jnp.where(adj == 2, e1, alpha)
    alpha = jnp.where(adj == 3, e2, alpha)
    alpha = jnp.where(adj == 4, e3, alpha)
    alpha = jax.nn.softmax(alpha, axis=-1)
    return alpha @ h


def _global_agg(self_vectors, neighbor_vector, neighbor_weight, extra_vector, gw1, gw2, gw3, bs):
    ev = jnp.broadcast_to(extra_vector[:, :, None, :], neighbor_vector.shape)
    cat = jnp.concatenate([ev * neighbor_vector, neighbor_weight[..., None]], axis=-1)
    alpha = leaky_relu(cat @ gw1, 0.2)
    alpha = jnp.squeeze(alpha @ gw2, -1)
    alpha = jax.nn.softmax(alpha, axis=-1)[..., None]
    neighbor_vector = jnp.sum(alpha * neighbor_vector, axis=-2)
    output = jnp.concatenate([self_vectors, neighbor_vector], axis=-1)
    output = output @ gw3
    output = output.reshape(bs, -1, DIM)
    return jnp.maximum(output, 0.0)  # relu activation


def _forward(inputs, adj, mask_item, item, adj_all, num, embedding,
             a_0, a_1, a_2, a_3, gw1, gw2, gw3):
    bs, seqs_len = inputs.shape
    h = embedding[inputs]
    h_local = _local_agg(h, adj, a_0, a_1, a_2, a_3)

    item_neighbors = [inputs]
    weight_neighbors = []
    support_size = seqs_len
    for _ in range(1, HOP + 1):
        flat = item_neighbors[-1].reshape(-1)
        item_sample = adj_all[flat]
        weight_sample = num[flat]
        support_size = support_size * SAMPLE_NUM
        item_neighbors.append(item_sample.reshape(bs, support_size))
        weight_neighbors.append(weight_sample.reshape(bs, support_size))

    entity_vectors = [embedding[i] for i in item_neighbors]
    weight_vectors = weight_neighbors

    item_emb = embedding[item] * mask_item[..., None]
    sum_item_emb = jnp.sum(item_emb, axis=1) / jnp.sum(mask_item, axis=-1)[:, None]
    sum_item_emb = sum_item_emb[:, None, :]
    session_info = [jnp.broadcast_to(sum_item_emb, (bs, entity_vectors[i].shape[1], DIM))
                    for i in range(HOP)]

    for n_hop in range(HOP):
        next_iter = []
        for hop in range(HOP - n_hop):
            vector = _global_agg(
                entity_vectors[hop],
                entity_vectors[hop + 1].reshape(bs, -1, SAMPLE_NUM, DIM),
                weight_vectors[hop].reshape(bs, -1, SAMPLE_NUM),
                session_info[hop],
                gw1, gw2, gw3, bs)
            next_iter.append(vector)
        entity_vectors = next_iter

    h_global = entity_vectors[0].reshape(bs, seqs_len, DIM)
    # dropout_local / dropout_global omitted (eval mode, deterministic)
    output = h_local + h_global
    return output


def reference(inputs, adj, mask_item, item, adj_all, num, embedding,
              a_0, a_1, a_2, a_3, gw1, gw2, gw3):
    return _forward(inputs, adj, mask_item, item, adj_all, num, embedding,
                    a_0, a_1, a_2, a_3, gw1, gw2, gw3)

if __name__ == "__main__":
    import jax
    _d = setup_inputs()
    print(jax.jit(kernel)(*tuple(_d.values())))

</pallas_src>

<mosaic_0001>
#map = affine_map<(d0, d1) -> (0, 0)>
#map1 = affine_map<(d0, d1) -> (0)>
module attributes {stable_mosaic.version = 14 : i64} {
  func.func @_sc_gather(%arg0: i32, %arg1: i32, %arg2: memref<50000x128xf32, #tpu.memory_space<hbm>>, %arg3: memref<6400xi32, #tpu.memory_space<hbm>>, %arg4: memref<6400xi32, #tpu.memory_space<hbm>>, %arg5: memref<61440xi32, #tpu.memory_space<hbm>>, %arg6: memref<600000xi32, #tpu.memory_space<hbm>>, %arg7: memref<600000xf32, #tpu.memory_space<hbm>>, %arg8: memref<6400x128xf32, #tpu.memory_space<hbm>>, %arg9: memref<6400x128xf32, #tpu.memory_space<hbm>>, %arg10: memref<61440x128xf32, #tpu.memory_space<hbm>>, %arg11: memref<61440xf32, #tpu.memory_space<hbm>>, %arg12: memref<200xi32, #tpu.memory_space<vmem>>, %arg13: memref<200xi32, #tpu.memory_space<vmem>>, %arg14: memref<1920xi32, #tpu.memory_space<vmem>>, %arg15: memref<1920xi32, #tpu.memory_space<vmem>>, %arg16: memref<1920xf32, #tpu.memory_space<vmem>>, %arg17: memref<3x240x128xf32, #tpu.memory_space<vmem>>, %arg18: memref<!tpu.dma_semaphore, #tpu.memory_space<semaphore_mem>>, %arg19: memref<!tpu.dma_semaphore, #tpu.memory_space<semaphore_mem>>, %arg20: memref<!tpu.dma_semaphore, #tpu.memory_space<semaphore_mem>>, %arg21: memref<!tpu.dma_semaphore, #tpu.memory_space<semaphore_mem>>, %arg22: memref<!tpu.dma_semaphore, #tpu.memory_space<semaphore_mem>>, %arg23: memref<!tpu.dma_semaphore, #tpu.memory_space<semaphore_mem>>, %arg24: memref<!tpu.dma_semaphore, #tpu.memory_space<semaphore_mem>>, %arg25: memref<!tpu.dma_semaphore, #tpu.memory_space<semaphore_mem>>, %arg26: memref<!tpu.dma_semaphore, #tpu.memory_space<semaphore_mem>>) attributes {dimension_semantics = [#tpu.dimension_semantics<core_parallel>, #tpu.dimension_semantics<subcore_parallel>], iteration_bounds = array<i64: 2, 16>, scalar_prefetch = 0 : i64, scratch_operands = 15 : i64, tpu.core_type = #tpu.core_type<sc_vector_subcore>, window_params = [{transform_indices = #map}, {transform_indices = #map1}, {transform_indices = #map1}, {transform_indices = #map1}, {transform_indices = #map1}, {transform_indices = #map1}, {transform_indices = #map}, {transform_indices = #map}, {transform_indices = #map}, {transform_indices = #map1}]} {
    %mul3A = arith.constant 2 : i32
    %mul3A_0 = arith.muli %arg1, %mul3A : i32
    %add3A = arith.addi %mul3A_0, %arg0 : i32
    %mul3A_1 = arith.constant 200 : i32
    %mul3A_2 = arith.muli %add3A, %mul3A_1 : i32
    %mul3A_3 = arith.constant 1920 : i32
    %mul3A_4 = arith.muli %add3A, %mul3A_3 : i32
    %dma_start3A = tpu.memref_slice %arg3[%mul3A_2] : memref<6400xi32, #tpu.memory_space<hbm>> -> memref<200xi32, #tpu.memory_space<hbm>>
    %dma_start3A_5 = tpu.memref_slice %arg3[%mul3A_2] : memref<6400xi32, #tpu.memory_space<hbm>> -> memref<200xi32, #tpu.memory_space<hbm>>
    tpu.enqueue_dma source(%dma_start3A_5 : memref<200xi32, #tpu.memory_space<hbm>>) target(%arg12 : memref<200xi32, #tpu.memory_space<vmem>>) target_semaphore(%arg18 : memref<!tpu.dma_semaphore, #tpu.memory_space<semaphore_mem>>)
    %dma_start3A_6 = tpu.memref_slice %arg4[%mul3A_2] : memref<6400xi32, #tpu.memory_space<hbm>> -> memref<200xi32, #tpu.memory_space<hbm>>
    %dma_start3A_7 = tpu.memref_slice %arg4[%mul3A_2] : memref<6400xi32, #tpu.memory_space<hbm>> -> memref<200xi32, #tpu.memory_space<hbm>>
    tpu.enqueue_dma source(%dma_start3A_7 : memref<200xi32, #tpu.memory_space<hbm>>) target(%arg13 : memref<200xi32, #tpu.memory_space<vmem>>) target_semaphore(%arg18 : memref<!tpu.dma_semaphore, #tpu.memory_space<semaphore_mem>>)
    %dma_start3A_8 = tpu.memref_slice %arg5[%mul3A_4] : memref<61440xi32, #tpu.memory_space<hbm>> -> memref<1920xi32, #tpu.memory_space<hbm>>
    %dma_start3A_9 = tpu.memref_slice %arg5[%mul3A_4] : memref<61440xi32, #tpu.memory_space<hbm>> -> memref<1920xi32, #tpu.memory_space<hbm>>
    tpu.enqueue_dma source(%dma_start3A_9 : memref<1920xi32, #tpu.memory_space<hbm>>) target(%arg14 : memref<1920xi32, #tpu.memory_space<vmem>>) target_semaphore(%arg18 : memref<!tpu.dma_semaphore, #tpu.memory_space<semaphore_mem>>)
    %dma_wait3A = tpu.memref_slice %arg3[%mul3A_2] : memref<6400xi32, #tpu.memory_space<hbm>> -> memref<200xi32, #tpu.memory_space<hbm>>
    %dma_wait3A_10 = tpu.memref_slice %arg3[%mul3A_2] : memref<6400xi32, #tpu.memory_space<hbm>> -> memref<200xi32, #tpu.memory_space<hbm>>
    tpu.wait_dma2 semaphore(%arg18 : memref<!tpu.dma_semaphore, #tpu.memory_space<semaphore_mem>>) src(%dma_wait3A_10 : memref<200xi32, #tpu.memory_space<hbm>>) dst(%arg12 : memref<200xi32, #tpu.memory_space<vmem>>)
    %dma_wait3A_11 = tpu.memref_slice %arg4[%mul3A_2] : memref<6400xi32, #tpu.memory_space<hbm>> -> memref<200xi32, #tpu.memory_space<hbm>>
    %dma_wait3A_12 = tpu.memref_slice %arg4[%mul3A_2] : memref<6400xi32, #tpu.memory_space<hbm>> -> memref<200xi32, #tpu.memory_space<hbm>>
    tpu.wait_dma2 semaphore(%arg18 : memref<!tpu.dma_semaphore, #tpu.memory_space<semaphore_mem>>) src(%dma_wait3A_12 : memref<200xi32, #tpu.memory_space<hbm>>) dst(%arg13 : memref<200xi32, #tpu.memory_space<vmem>>)
    %dma_wait3A_13 = tpu.memref_slice %arg5[%mul3A_4] : memref<61440xi32, #tpu.memory_space<hbm>> -> memref<1920xi32, #tpu.memory_space<hbm>>
    %dma_wait3A_14 = tpu.memref_slice %arg5[%mul3A_4] : memref<61440xi32, #tpu.memory_space<hbm>> -> memref<1920xi32, #tpu.memory_space<hbm>>
    tpu.wait_dma2 semaphore(%arg18 : memref<!tpu.dma_semaphore, #tpu.memory_space<semaphore_mem>>) src(%dma_wait3A_14 : memref<1920xi32, #tpu.memory_space<hbm>>) dst(%arg14 : memref<1920xi32, #tpu.memory_space<vmem>>)
    %dma_start3A_15 = arith.constant 0 : i32
    %dma_start3A_16 = tpu.memref_slice %arg6[%dma_start3A_15] : memref<600000xi32, #tpu.memory_space<hbm>> -> memref<600000xi32, #tpu.memory_space<hbm>>
    tpu.enqueue_indirect_dma source(%dma_start3A_16 : memref<600000xi32, #tpu.memory_space<hbm>>) target(%arg15 : memref<1920xi32, #tpu.memory_space<vmem>>) offsets(%arg14 : memref<1920xi32, #tpu.memory_space<vmem>>) semaphore(%arg19 : memref<!tpu.dma_semaphore, #tpu.memory_space<semaphore_mem>>)
    %dma_start3A_17 = arith.constant 0 : i32
    %dma_start3A_18 = tpu.memref_slice %arg7[%dma_start3A_17] : memref<600000xf32, #tpu.memory_space<hbm>> -> memref<600000xf32, #tpu.memory_space<hbm>>
    tpu.enqueue_indirect_dma source(%dma_start3A_18 : memref<600000xf32, #tpu.memory_space<hbm>>) target(%arg16 : memref<1920xf32, #tpu.memory_space<vmem>>) offsets(%arg14 : memref<1920xi32, #tpu.memory_space<vmem>>) semaphore(%arg20 : memref<!tpu.dma_semaphore, #tpu.memory_space<semaphore_mem>>)
    %add3A_19 = arith.constant 0 : i32
    %add3A_20 = arith.addi %mul3A_4, %add3A_19 : i32
    %add3A_21 = arith.constant 240 : i32
    %add3A_22 = arith.addi %mul3A_4, %add3A_21 : i32
    %add3A_23 = arith.constant 480 : i32
    %add3A_24 = arith.addi %mul3A_4, %add3A_23 : i32
    %add3A_25 = arith.constant 720 : i32
    %add3A_26 = arith.addi %mul3A_4, %add3A_25 : i32
    %add3A_27 = arith.constant 960 : i32
    %add3A_28 = arith.addi %mul3A_4, %add3A_27 : i32
    %add3A_29 = arith.constant 1200 : i32
    %add3A_30 = arith.addi %mul3A_4, %add3A_29 : i32
    %add3A_31 = arith.constant 1440 : i32
    %add3A_32 = arith.addi %mul3A_4, %add3A_31 : i32
    %add3A_33 = arith.constant 1680 : i32
    %add3A_34 = arith.addi %mul3A_4, %add3A_33 : i32
    %dma_start3A_35 = arith.constant 0 : i32
    %dma_start3A_36 = arith.constant 0 : i32
    %dma_start3A_37 = arith.constant 0 : i32
    %dma_start3A_38 = tpu.memref_slice %arg17[%dma_start3A_35, %dma_start3A_36, %dma_start3A_37] : memref<3x240x128xf32, #tpu.memory_space<vmem>> -> memref<1x200x128xf32, #tpu.memory_space<vmem>>
    %dma_start3A_39 = tpu.memref_squeeze %dma_start3A_38 : memref<1x200x128xf32, #tpu.memory_space<vmem>> -> memref<200x128xf32, #tpu.memory_space<vmem>>
    %dma_start3A_40 = arith.constant 0 : i32
    %dma_start3A_41 = arith.constant 0 : i32
    %dma_start3A_42 = tpu.memref_slice %arg2[%dma_start3A_40, %dma_start3A_41] : memref<50000x128xf32, #tpu.memory_space<hbm>> -> memref<50000x128xf32, #tpu.memory_space<hbm>>
    tpu.enqueue_indirect_dma source(%dma_start3A_42 : memref<50000x128xf32, #tpu.memory_space<hbm>>) target(%dma_start3A_39 : memref<200x128xf32, #tpu.memory_space<vmem>>) offsets(%arg12 : memref<200xi32, #tpu.memory_space<vmem>>) semaphore(%arg21 : memref<!tpu.dma_semaphore, #tpu.memory_space<semaphore_mem>>)
    %dma_start3A_43 = arith.constant 1 : i32
    %dma_start3A_44 = arith.constant 0 : i32
    %dma_start3A_45 = arith.constant 0 : i32
    %dma_start3A_46 = tpu.memref_slice %arg17[%dma_start3A_43, %dma_start3A_44, %dma_start3A_45] : memref<3x240x128xf32, #tpu.memory_space<vmem>> -> memref<1x200x128xf32, #tpu.memory_space<vmem>>
    %dma_start3A_47 = tpu.memref_squeeze %dma_start3A_46 : memref<1x200x128xf32, #tpu.memory_space<vmem>> -> memref<200x128xf32, #tpu.memory_space<vmem>>
    %dma_start3A_48 = arith.constant 0 : i32
    %dma_start3A_49 = arith.constant 0 : i32
    %dma_start3A_50 = tpu.memref_slice %arg2[%dma_start3A_48, %dma_start3A_49] : memref<50000x128xf32, #tpu.memory_space<hbm>> -> memref<50000x128xf32, #tpu.memory_space<hbm>>
    tpu.enqueue_indirect_dma source(%dma_start3A_50 : memref<50000x128xf32, #tpu.memory_space<hbm>>) target(%dma_start3A_47 : memref<200x128xf32, #tpu.memory_space<vmem>>) offsets(%arg13 : memref<200xi32, #tpu.memory_space<vmem>>) semaphore(%arg22 : memref<!tpu.dma_semaphore, #tpu.memory_space<semaphore_mem>>)
    %dma_wait3A_51 = arith.constant 0 : i32
    %dma_wait3A_52 = arith.constant 0 : i32
    %dma_wait3A_53 = arith.constant 0 : i32
    %dma_wait3A_54 = tpu.memref_slice %arg17[%dma_wait3A_51, %dma_wait3A_52, %dma_wait3A_53] : memref<3x240x128xf32, #tpu.memory_space<vmem>> -> memref<1x200x128xf32, #tpu.memory_space<vmem>>
    %dma_wait3A_55 = tpu.memref_squeeze %dma_wait3A_54 : memref<1x200x128xf32, #tpu.memory_space<vmem>> -> memref<200x128xf32, #tpu.memory_space<vmem>>
    %dma_wait3A_56 = arith.constant 0 : i32
    %dma_wait3A_57 = arith.constant 0 : i32
    %dma_wait3A_58 = tpu.memref_slice %arg2[%dma_wait3A_56, %dma_wait3A_57] : memref<50000x128xf32, #tpu.memory_space<hbm>> -> memref<50000x128xf32, #tpu.memory_space<hbm>>
    tpu.wait_indirect_dma semaphore(%arg21 : memref<!tpu.dma_semaphore, #tpu.memory_space<semaphore_mem>>) src(%dma_wait3A_58 : memref<50000x128xf32, #tpu.memory_space<hbm>>) dst(%dma_wait3A_55 : memref<200x128xf32, #tpu.memory_space<vmem>>)
    %dma_start3A_59 = arith.constant 0 : i32
    %dma_start3A_60 = arith.constant 0 : i32
    %dma_start3A_61 = arith.constant 0 : i32
    %dma_start3A_62 = tpu.memref_slice %arg17[%dma_start3A_59, %dma_start3A_60, %dma_start3A_61] : memref<3x240x128xf32, #tpu.memory_space<vmem>> -> memref<1x200x128xf32, #tpu.memory_space<vmem>>
    %dma_start3A_63 = tpu.memref_squeeze %dma_start3A_62 : memref<1x200x128xf32, #tpu.memory_space<vmem>> -> memref<200x128xf32, #tpu.memory_space<vmem>>
    %dma_start3A_64 = arith.constant 0 : i32
    %dma_start3A_65 = tpu.memref_slice %arg8[%mul3A_2, %dma_start3A_64] : memref<6400x128xf32, #tpu.memory_space<hbm>> -> memref<200x128xf32, #tpu.memory_space<hbm>>
    %dma_start3A_66 = arith.constant 0 : i32
    %dma_start3A_67 = tpu.memref_slice %arg8[%mul3A_2, %dma_start3A_66] : memref<6400x128xf32, #tpu.memory_space<hbm>> -> memref<200x128xf32, #tpu.memory_space<hbm>>
    %dma_start3A_68 = arith.constant 0 : i32
    %dma_start3A_69 = arith.constant 0 : i32
    %dma_start3A_70 = tpu.memref_slice %arg17[%dma_start3A_59, %dma_start3A_68, %dma_start3A_69] : memref<3x240x128xf32, #tpu.memory_space<vmem>> -> memref<1x200x128xf32, #tpu.memory_space<vmem>>
    %dma_start3A_71 = tpu.memref_squeeze %dma_start3A_70 : memref<1x200x128xf32, #tpu.memory_space<vmem>> -> memref<200x128xf32, #tpu.memory_space<vmem>>
    tpu.enqueue_dma source(%dma_start3A_71 : memref<200x128xf32, #tpu.memory_space<vmem>>) target(%dma_start3A_67 : memref<200x128xf32, #tpu.memory_space<hbm>>) target_semaphore(%arg24 : memref<!tpu.dma_semaphore, #tpu.memory_space<semaphore_mem>>)
    %dma_wait3A_72 = arith.constant 0 : i32
    %dma_wait3A_73 = tpu.memref_slice %arg6[%dma_wait3A_72] : memref<600000xi32, #tpu.memory_space<hbm>> -> memref<600000xi32, #tpu.memory_space<hbm>>
    tpu.wait_indirect_dma semaphore(%arg19 : memref<!tpu.dma_semaphore, #tpu.memory_space<semaphore_mem>>) src(%dma_wait3A_73 : memref<600000xi32, #tpu.memory_space<hbm>>) dst(%arg15 : memref<1920xi32, #tpu.memory_space<vmem>>)
    %dma_start3A_74 = arith.constant 2 : i32
    %dma_start3A_75 = arith.constant 0 : i32
    %dma_start3A_76 = arith.constant 0 : i32
    %dma_start3A_77 = tpu.memref_slice %arg17[%dma_start3A_74, %dma_start3A_75, %dma_start3A_76] : memref<3x240x128xf32, #tpu.memory_space<vmem>> -> memref<1x240x128xf32, #tpu.memory_space<vmem>>
    %dma_start3A_78 = tpu.memref_squeeze %dma_start3A_77 : memref<1x240x128xf32, #tpu.memory_space<vmem>> -> memref<240x128xf32, #tpu.memory_space<vmem>>
    %dma_start3A_79 = arith.constant 0 : i32
    %dma_start3A_80 = tpu.memref_slice %arg15[%dma_start3A_79] : memref<1920xi32, #tpu.memory_space<vmem>> -> memref<240xi32, #tpu.memory_space<vmem>>
    %dma_start3A_81 = arith.constant 0 : i32
    %dma_start3A_82 = arith.constant 0 : i32
    %dma_start3A_83 = tpu.memref_slice %arg2[%dma_start3A_81, %dma_start3A_82] : memref<50000x128xf32, #tpu.memory_space<hbm>> -> memref<50000x128xf32, #tpu.memory_space<hbm>>
    tpu.enqueue_indirect_dma source(%dma_start3A_83 : memref<50000x128xf32, #tpu.memory_space<hbm>>) target(%dma_start3A_78 : memref<240x128xf32, #tpu.memory_space<vmem>>) offsets(%dma_start3A_80 : memref<240xi32, #tpu.memory_space<vmem>>) semaphore(%arg23 : memref<!tpu.dma_semaphore, #tpu.memory_space<semaphore_mem>>)
    %dma_wait3A_84 = arith.constant 1 : i32
    %dma_wait3A_85 = arith.constant 0 : i32
    %dma_wait3A_86 = arith.constant 0 : i32
    %dma_wait3A_87 = tpu.memref_slice %arg17[%dma_wait3A_84, %dma_wait3A_85, %dma_wait3A_86] : memref<3x240x128xf32, #tpu.memory_space<vmem>> -> memref<1x200x128xf32, #tpu.memory_space<vmem>>
    %dma_wait3A_88 = tpu.memref_squeeze %dma_wait3A_87 : memref<1x200x128xf32, #tpu.memory_space<vmem>> -> memref<200x128xf32, #tpu.memory_space<vmem>>
    %dma_wait3A_89 = arith.constant 0 : i32
    %dma_wait3A_90 = arith.constant 0 : i32
    %dma_wait3A_91 = tpu.memref_slice %arg2[%dma_wait3A_89, %dma_wait3A_90] : memref<50000x128xf32, #tpu.memory_space<hbm>> -> memref<50000x128xf32, #tpu.memory_space<hbm>>
    tpu.wait_indirect_dma semaphore(%arg22 : memref<!tpu.dma_semaphore, #tpu.memory_space<semaphore_mem>>) src(%dma_wait3A_91 : memref<50000x128xf32, #tpu.memory_space<hbm>>) dst(%dma_wait3A_88 : memref<200x128xf32, #tpu.memory_space<vmem>>)
    %dma_start3A_92 = arith.constant 1 : i32
    %dma_start3A_93 = arith.constant 0 : i32
    %dma_start3A_94 = arith.constant 0 : i32
    %dma_start3A_95 = tpu.memref_slice %arg17[%dma_start3A_92, %dma_start3A_93, %dma_start3A_94] : memref<3x240x128xf32, #tpu.memory_space<vmem>> -> memref<1x200x128xf32, #tpu.memory_space<vmem>>
    %dma_start3A_96 = tpu.memref_squeeze %dma_start3A_95 : memref<1x200x128xf32, #tpu.memory_space<vmem>> -> memref<200x128xf32, #tpu.memory_space<vmem>>
    %dma_start3A_97 = arith.constant 0 : i32
    %dma_start3A_98 = tpu.memref_slice %arg9[%mul3A_2, %dma_start3A_97] : memref<6400x128xf32, #tpu.memory_space<hbm>> -> memref<200x128xf32, #tpu.memory_space<hbm>>
    %dma_start3A_99 = arith.constant 0 : i32
    %dma_start3A_100 = tpu.memref_slice %arg9[%mul3A_2, %dma_start3A_99] : memref<6400x128xf32, #tpu.memory_space<hbm>> -> memref<200x128xf32, #tpu.memory_space<hbm>>
    %dma_start3A_101 = arith.constant 0 : i32
    %dma_start3A_102 = arith.constant 0 : i32
    %dma_start3A_103 = tpu.memref_slice %arg17[%dma_start3A_92, %dma_start3A_101, %dma_start3A_102] : memref<3x240x128xf32, #tpu.memory_space<vmem>> -> memref<1x200x128xf32, #tpu.memory_space<vmem>>
    %dma_start3A_104 = tpu.memref_squeeze %dma_start3A_103 : memref<1x200x128xf32, #tpu.memory_space<vmem>> -> memref<200x128xf32, #tpu.memory_space<vmem>>
    tpu.enqueue_dma source(%dma_start3A_104 : memref<200x128xf32, #tpu.memory_space<vmem>>) target(%dma_start3A_100 : memref<200x128xf32, #tpu.memory_space<hbm>>) target_semaphore(%arg25 : memref<!tpu.dma_semaphore, #tpu.memory_space<semaphore_mem>>)
    %dma_wait3A_105 = arith.constant 0 : i32
    %dma_wait3A_106 = arith.constant 0 : i32
    %dma_wait3A_107 = arith.constant 0 : i32
    %dma_wait3A_108 = tpu.memref_slice %arg17[%dma_wait3A_105, %dma_wait3A_106, %dma_wait3A_107] : memref<3x240x128xf32, #tpu.memory_space<vmem>> -> memref<1x200x128xf32, #tpu.memory_space<vmem>>
    %dma_wait3A_109 = tpu.memref_squeeze %dma_wait3A_108 : memref<1x200x128xf32, #tpu.memory_space<vmem>> -> memref<200x128xf32, #tpu.memory_space<vmem>>
    %dma_wait3A_110 = arith.constant 0 : i32
    %dma_wait3A_111 = tpu.memref_slice %arg8[%mul3A_2, %dma_wait3A_110] : memref<6400x128xf32, #tpu.memory_space<hbm>> -> memref<200x128xf32, #tpu.memory_space<hbm>>
    %dma_wait3A_112 = arith.constant 0 : i32
    %dma_wait3A_113 = tpu.memref_slice %arg8[%mul3A_2, %dma_wait3A_112] : memref<6400x128xf32, #tpu.memory_space<hbm>> -> memref<200x128xf32, #tpu.memory_space<hbm>>
    %dma_wait3A_114 = arith.constant 0 : i32
    %dma_wait3A_115 = arith.constant 0 : i32
    %dma_wait3A_116 = tpu.memref_slice %arg17[%dma_wait3A_105, %dma_wait3A_114, %dma_wait3A_115] : memref<3x240x128xf32, #tpu.memory_space<vmem>> -> memref<1x200x128xf32, #tpu.memory_space<vmem>>
    %dma_wait3A_117 = tpu.memref_squeeze %dma_wait3A_116 : memref<1x200x128xf32, #tpu.memory_space<vmem>> -> memref<200x128xf32, #tpu.memory_space<vmem>>
    tpu.wait_dma2 semaphore(%arg24 : memref<!tpu.dma_semaphore, #tpu.memory_space<semaphore_mem>>) src(%dma_wait3A_117 : memref<200x128xf32, #tpu.memory_space<vmem>>) dst(%dma_wait3A_113 : memref<200x128xf32, #tpu.memory_space<hbm>>)
    %dma_start3A_118 = arith.constant 0 : i32
    %dma_start3A_119 = arith.constant 0 : i32
    %dma_start3A_120 = arith.constant 0 : i32
    %dma_start3A_121 = tpu.memref_slice %arg17[%dma_start3A_118, %dma_start3A_119, %dma_start3A_120] : memref<3x240x128xf32, #tpu.memory_space<vmem>> -> memref<1x240x128xf32, #tpu.memory_space<vmem>>
    %dma_start3A_122 = tpu.memref_squeeze %dma_start3A_121 : memref<1x240x128xf32, #tpu.memory_space<vmem>> -> memref<240x128xf32, #tpu.memory_space<vmem>>
    %dma_start3A_123 = arith.constant 240 : i32
    %dma_start3A_124 = tpu.memref_slice %arg15[%dma_start3A_123] : memref<1920xi32, #tpu.memory_space<vmem>> -> memref<240xi32, #tpu.memory_space<vmem>>
    %dma_start3A_125 = arith.constant 0 : i32
    %dma_start3A_126 = arith.constant 0 : i32
    %dma_start3A_127 = tpu.memref_slice %arg2[%dma_start3A_125, %dma_start3A_126] : memref<50000x128xf32, #tpu.memory_space<hbm>> -> memref<50000x128xf32, #tpu.memory_space<hbm>>
    tpu.enqueue_indirect_dma source(%dma_start3A_127 : memref<50000x128xf32, #tpu.memory_space<hbm>>) target(%dma_start3A_122 : memref<240x128xf32, #tpu.memory_space<vmem>>) offsets(%dma_start3A_124 : memref<240xi32, #tpu.memory_space<vmem>>) semaphore(%arg21 : memref<!tpu.dma_semaphore, #tpu.memory_space<semaphore_mem>>)
    %dma_wait3A_128 = arith.constant 2 : i32
    %dma_wait3A_129 = arith.constant 0 : i32
    %dma_wait3A_130 = arith.constant 0 : i32
    %dma_wait3A_131 = tpu.memref_slice %arg17[%dma_wait3A_128, %dma_wait3A_129, %dma_wait3A_130] : memref<3x240x128xf32, #tpu.memory_space<vmem>> -> memref<1x240x128xf32, #tpu.memory_space<vmem>>
    %dma_wait3A_132 = tpu.memref_squeeze %dma_wait3A_131 : memref<1x240x128xf32, #tpu.memory_space<vmem>> -> memref<240x128xf32, #tpu.memory_space<vmem>>
    %dma_wait3A_133 = arith.constant 0 : i32
    %dma_wait3A_134 = tpu.memref_slice %arg15[%dma_wait3A_133] : memref<1920xi32, #tpu.memory_space<vmem>> -> memref<240xi32, #tpu.memory_space<vmem>>
    %dma_wait3A_135 = arith.constant 0 : i32
    %dma_wait3A_136 = arith.constant 0 : i32
    %dma_wait3A_137 = tpu.memref_slice %arg2[%dma_wait3A_135, %dma_wait3A_136] : memref<50000x128xf32, #tpu.memory_space<hbm>> -> memref<50000x128xf32, #tpu.memory_space<hbm>>
    tpu.wait_indirect_dma semaphore(%arg23 : memref<!tpu.dma_semaphore, #tpu.memory_space<semaphore_mem>>) src(%dma_wait3A_137 : memref<50000x128xf32, #tpu.memory_space<hbm>>) dst(%dma_wait3A_132 : memref<240x128xf32, #tpu.memory_space<vmem>>)
    %dma_start3A_138 = arith.constant 2 : i32
    %dma_start3A_139 = arith.constant 0 : i32
    %dma_start3A_140 = arith.constant 0 : i32
    %dma_start3A_141 = tpu.memref_slice %arg17[%dma_start3A_138, %dma_start3A_139, %dma_start3A_140] : memref<3x240x128xf32, #tpu.memory_space<vmem>> -> memref<1x240x128xf32, #tpu.memory_space<vmem>>
    %dma_start3A_142 = tpu.memref_squeeze %dma_start3A_141 : memref<1x240x128xf32, #tpu.memory_space<vmem>> -> memref<240x128xf32, #tpu.memory_space<vmem>>
    %dma_start3A_143 = arith.constant 0 : i32
    %dma_start3A_144 = tpu.memref_slice %arg10[%add3A_20, %dma_start3A_143] : memref<61440x128xf32, #tpu.memory_space<hbm>> -> memref<240x128xf32, #tpu.memory_space<hbm>>
    %dma_start3A_145 = arith.constant 0 : i32
    %dma_start3A_146 = tpu.memref_slice %arg10[%add3A_20, %dma_start3A_145] : memref<61440x128xf32, #tpu.memory_space<hbm>> -> memref<240x128xf32, #tpu.memory_space<hbm>>
    %dma_start3A_147 = arith.constant 0 : i32
    %dma_start3A_148 = arith.constant 0 : i32
    %dma_start3A_149 = tpu.memref_slice %arg17[%dma_start3A_138, %dma_start3A_147, %dma_start3A_148] : memref<3x240x128xf32, #tpu.memory_space<vmem>> -> memref<1x240x128xf32, #tpu.memory_space<vmem>>
    %dma_start3A_150 = tpu.memref_squeeze %dma_start3A_149 : memref<1x240x128xf32, #tpu.memory_space<vmem>> -> memref<240x128xf32, #tpu.memory_space<vmem>>
    tpu.enqueue_dma source(%dma_start3A_150 : memref<240x128xf32, #tpu.memory_space<vmem>>) target(%dma_start3A_146 : memref<240x128xf32, #tpu.memory_space<hbm>>) target_semaphore(%arg26 : memref<!tpu.dma_semaphore, #tpu.memory_space<semaphore_mem>>)
    %dma_wait3A_151 = arith.constant 1 : i32
    %dma_wait3A_152 = arith.constant 0 : i32
    %dma_wait3A_153 = arith.constant 0 : i32
    %dma_wait3A_154 = tpu.memref_slice %arg17[%dma_wait3A_151, %dma_wait3A_152, %dma_wait3A_153] : memref<3x240x128xf32, #tpu.memory_space<vmem>> -> memref<1x200x128xf32, #tpu.memory_space<vmem>>
    %dma_wait3A_155 = tpu.memref_squeeze %dma_wait3A_154 : memref<1x200x128xf32, #tpu.memory_space<vmem>> -> memref<200x128xf32, #tpu.memory_space<vmem>>
    %dma_wait3A_156 = arith.constant 0 : i32
    %dma_wait3A_157 = tpu.memref_slice %arg9[%mul3A_2, %dma_wait3A_156] : memref<6400x128xf32, #tpu.memory_space<hbm>> -> memref<200x128xf32, #tpu.memory_space<hbm>>
    %dma_wait3A_158 = arith.constant 0 : i32
    %dma_wait3A_159 = tpu.memref_slice %arg9[%mul3A_2, %dma_wait3A_158] : memref<6400x128xf32, #tpu.memory_space<hbm>> -> memref<200x128xf32, #tpu.memory_space<hbm>>
    %dma_wait3A_160 = arith.constant 0 : i32
    %dma_wait3A_161 = arith.constant 0 : i32
    %dma_wait3A_162 = tpu.memref_slice %arg17[%dma_wait3A_151, %dma_wait3A_160, %dma_wait3A_161] : memref<3x240x128xf32, #tpu.memory_space<vmem>> -> memref<1x200x128xf32, #tpu.memory_space<vmem>>
    %dma_wait3A_163 = tpu.memref_squeeze %dma_wait3A_162 : memref<1x200x128xf32, #tpu.memory_space<vmem>> -> memref<200x128xf32, #tpu.memory_space<vmem>>
    tpu.wait_dma2 semaphore(%arg25 : memref<!tpu.dma_semaphore, #tpu.memory_space<semaphore_mem>>) src(%dma_wait3A_163 : memref<200x128xf32, #tpu.memory_space<vmem>>) dst(%dma_wait3A_159 : memref<200x128xf32, #tpu.memory_space<hbm>>)
    %dma_start3A_164 = arith.constant 1 : i32
    %dma_start3A_165 = arith.constant 0 : i32
    %dma_start3A_166 = arith.constant 0 : i32
    %dma_start3A_167 = tpu.memref_slice %arg17[%dma_start3A_164, %dma_start3A_165, %dma_start3A_166] : memref<3x240x128xf32, #tpu.memory_space<vmem>> -> memref<1x240x128xf32, #tpu.memory_space<vmem>>
    %dma_start3A_168 = tpu.memref_squeeze %dma_start3A_167 : memref<1x240x128xf32, #tpu.memory_space<vmem>> -> memref<240x128xf32, #tpu.memory_space<vmem>>
    %dma_start3A_169 = arith.constant 480 : i32
    %dma_start3A_170 = tpu.memref_slice %arg15[%dma_start3A_169] : memref<1920xi32, #tpu.memory_space<vmem>> -> memref<240xi32, #tpu.memory_space<vmem>>
    %dma_start3A_171 = arith.constant 0 : i32
    %dma_start3A_172 = arith.constant 0 : i32
    %dma_start3A_173 = tpu.memref_slice %arg2[%dma_start3A_171, %dma_start3A_172] : memref<50000x128xf32, #tpu.memory_space<hbm>> -> memref<50000x128xf32, #tpu.memory_space<hbm>>
    tpu.enqueue_indirect_dma source(%dma_start3A_173 : memref<50000x128xf32, #tpu.memory_space<hbm>>) target(%dma_start3A_168 : memref<240x128xf32, #tpu.memory_space<vmem>>) offsets(%dma_start3A_170 : memref<240xi32, #tpu.memory_space<vmem>>) semaphore(%arg22 : memref<!tpu.dma_semaphore, #tpu.memory_space<semaphore_mem>>)
    %dma_wait3A_174 = arith.constant 0 : i32
    %dma_wait3A_175 = arith.constant 0 : i32
    %dma_wait3A_176 = arith.constant 0 : i32
    %dma_wait3A_177 = tpu.memref_slice %arg17[%dma_wait3A_174, %dma_wait3A_175, %dma_wait3A_176] : memref<3x240x128xf32, #tpu.memory_space<vmem>> -> memref<1x240x128xf32, #tpu.memory_space<vmem>>
    %dma_wait3A_178 = tpu.memref_squeeze %dma_wait3A_177 : memref<1x240x128xf32, #tpu.memory_space<vmem>> -> memref<240x128xf32, #tpu.memory_space<vmem>>
    %dma_wait3A_179 = arith.constant 240 : i32
    %dma_wait3A_180 = tpu.memref_slice %arg15[%dma_wait3A_179] : memref<1920xi32, #tpu.memory_space<vmem>> -> memref<240xi32, #tpu.memory_space<vmem>>
    %dma_wait3A_181 = arith.constant 0 : i32
    %dma_wait3A_182 = arith.constant 0 : i32
    %dma_wait3A_183 = tpu.memref_slice %arg2[%dma_wait3A_181, %dma_wait3A_182] : memref<50000x128xf32, #tpu.memory_space<hbm>> -> memref<50000x128xf32, #tpu.memory_space<hbm>>
    tpu.wait_indirect_dma semaphore(%arg21 : memref<!tpu.dma_semaphore, #tpu.memory_space<semaphore_mem>>) src(%dma_wait3A_183 : memref<50000x128xf32, #tpu.memory_space<hbm>>) dst(%dma_wait3A_178 : memref<240x128xf32, #tpu.memory_space<vmem>>)
    %dma_start3A_184 = arith.constant 0 : i32
    %dma_start3A_185 = arith.constant 0 : i32
    %dma_start3A_186 = arith.constant 0 : i32
    %dma_start3A_187 = tpu.memref_slice %arg17[%dma_start3A_184, %dma_start3A_185, %dma_start3A_186] : memref<3x240x128xf32, #tpu.memory_space<vmem>> -> memref<1x240x128xf32, #tpu.memory_space<vmem>>
    %dma_start3A_188 = tpu.memref_squeeze %dma_start3A_187 : memref<1x240x128xf32, #tpu.memory_space<vmem>> -> memref<240x128xf32, #tpu.memory_space<vmem>>
    %dma_start3A_189 = arith.constant 0 : i32
    %dma_start3A_190 = tpu.memref_slice %arg10[%add3A_22, %dma_start3A_189] : memref<61440x128xf32, #tpu.memory_space<hbm>> -> memref<240x128xf32, #tpu.memory_space<hbm>>
    %dma_start3A_191 = arith.constant 0 : i32
    %dma_start3A_192 = tpu.memref_slice %arg10[%add3A_22, %dma_start3A_191] : memref<61440x128xf32, #tpu.memory_space<hbm>> -> memref<240x128xf32, #tpu.memory_space<hbm>>
    %dma_start3A_193 = arith.constant 0 : i32
    %dma_start3A_194 = arith.constant 0 : i32
    %dma_start3A_195 = tpu.memref_slice %arg17[%dma_start3A_184, %dma_start3A_193, %dma_start3A_194] : memref<3x240x128xf32, #tpu.memory_space<vmem>> -> memref<1x240x128xf32, #tpu.memory_space<vmem>>
    %dma_start3A_196 = tpu.memref_squeeze %dma_start3A_195 : memref<1x240x128xf32, #tpu.memory_space<vmem>> -> memref<240x128xf32, #tpu.memory_space<vmem>>
    tpu.enqueue_dma source(%dma_start3A_196 : memref<240x128xf32, #tpu.memory_space<vmem>>) target(%dma_start3A_192 : memref<240x128xf32, #tpu.memory_space<hbm>>) target_semaphore(%arg24 : memref<!tpu.dma_semaphore, #tpu.memory_space<semaphore_mem>>)
    %dma_wait3A_197 = arith.constant 2 : i32
    %dma_wait3A_198 = arith.constant 0 : i32
    %dma_wait3A_199 = arith.constant 0 : i32
    %dma_wait3A_200 = tpu.memref_slice %arg17[%dma_wait3A_197, %dma_wait3A_198, %dma_wait3A_199] : memref<3x240x128xf32, #tpu.memory_space<vmem>> -> memref<1x240x128xf32, #tpu.memory_space<vmem>>
    %dma_wait3A_201 = tpu.memref_squeeze %dma_wait3A_200 : memref<1x240x128xf32, #tpu.memory_space<vmem>> -> memref<240x128xf32, #tpu.memory_space<vmem>>
    %dma_wait3A_202 = arith.constant 0 : i32
    %dma_wait3A_203 = tpu.memref_slice %arg10[%add3A_20, %dma_wait3A_202] : memref<61440x128xf32, #tpu.memory_space<hbm>> -> memref<240x128xf32, #tpu.memory_space<hbm>>
    %dma_wait3A_204 = arith.constant 0 : i32
    %dma_wait3A_205 = tpu.memref_slice %arg10[%add3A_20, %dma_wait3A_204] : memref<61440x128xf32, #tpu.memory_space<hbm>> -> memref<240x128xf32, #tpu.memory_space<hbm>>
    %dma_wait3A_206 = arith.constant 0 : i32
    %dma_wait3A_207 = arith.constant 0 : i32
    %dma_wait3A_208 = tpu.memref_slice %arg17[%dma_wait3A_197, %dma_wait3A_206, %dma_wait3A_207] : memref<3x240x128xf32, #tpu.memory_space<vmem>> -> memref<1x240x128xf32, #tpu.memory_space<vmem>>
    %dma_wait3A_209 = tpu.memref_squeeze %dma_wait3A_208 : memref<1x240x128xf32, #tpu.memory_space<vmem>> -> memref<240x128xf32, #tpu.memory_space<vmem>>
    tpu.wait_dma2 semaphore(%arg26 : memref<!tpu.dma_semaphore, #tpu.memory_space<semaphore_mem>>) src(%dma_wait3A_209 : memref<240x128xf32, #tpu.memory_space<vmem>>) dst(%dma_wait3A_205 : memref<240x128xf32, #tpu.memory_space<hbm>>)
    %dma_start3A_210 = arith.constant 2 : i32
    %dma_start3A_211 = arith.constant 0 : i32
    %dma_start3A_212 = arith.constant 0 : i32
    %dma_start3A_213 = tpu.memref_slice %arg17[%dma_start3A_210, %dma_start3A_211, %dma_start3A_212] : memref<3x240x128xf32, #tpu.memory_space<vmem>> -> memref<1x240x128xf32, #tpu.memory_space<vmem>>
    %dma_start3A_214 = tpu.memref_squeeze %dma_start3A_213 : memref<1x240x128xf32, #tpu.memory_space<vmem>> -> memref<240x128xf32, #tpu.memory_space<vmem>>
    %dma_start3A_215 = arith.constant 720 : i32
    %dma_start3A_216 = tpu.memref_slice %arg15[%dma_start3A_215] : memref<1920xi32, #tpu.memory_space<vmem>> -> memref<240xi32, #tpu.memory_space<vmem>>
    %dma_start3A_217 = arith.constant 0 : i32
    %dma_start3A_218 = arith.constant 0 : i32
    %dma_start3A_219 = tpu.memref_slice %arg2[%dma_start3A_217, %dma_start3A_218] : memref<50000x128xf32, #tpu.memory_space<hbm>> -> memref<50000x128xf32, #tpu.memory_space<hbm>>
    tpu.enqueue_indirect_dma source(%dma_start3A_219 : memref<50000x128xf32, #tpu.memory_space<hbm>>) target(%dma_start3A_214 : memref<240x128xf32, #tpu.memory_space<vmem>>) offsets(%dma_start3A_216 : memref<240xi32, #tpu.memory_space<vmem>>) semaphore(%arg23 : memref<!tpu.dma_semaphore, #tpu.memory_space<semaphore_mem>>)
    %dma_wait3A_220 = arith.constant 1 : i32
    %dma_wait3A_221 = arith.constant 0 : i32
    %dma_wait3A_222 = arith.constant 0 : i32
    %dma_wait3A_223 = tpu.memref_slice %arg17[%dma_wait3A_220, %dma_wait3A_221, %dma_wait3A_222] : memref<3x240x128xf32, #tpu.memory_space<vmem>> -> memref<1x240x128xf32, #tpu.memory_space<vmem>>
    %dma_wait3A_224 = tpu.memref_squeeze %dma_wait3A_223 : memref<1x240x128xf32, #tpu.memory_space<vmem>> -> memref<240x128xf32, #tpu.memory_space<vmem>>
    %dma_wait3A_225 = arith.constant 480 : i32
    %dma_wait3A_226 = tpu.memref_slice %arg15[%dma_wait3A_225] : memref<1920xi32, #tpu.memory_space<vmem>> -> memref<240xi32, #tpu.memory_space<vmem>>
    %dma_wait3A_227 = arith.constant 0 : i32
    %dma_wait3A_228 = arith.constant 0 : i32
    %dma_wait3A_229 = tpu.memref_slice %arg2[%dma_wait3A_227, %dma_wait3A_228] : memref<50000x128xf32, #tpu.memory_space<hbm>> -> memref<50000x128xf32, #tpu.memory_space<hbm>>
    tpu.wait_indirect_dma semaphore(%arg22 : memref<!tpu.dma_semaphore, #tpu.memory_space<semaphore_mem>>) src(%dma_wait3A_229 : memref<50000x128xf32, #tpu.memory_space<hbm>>) dst(%dma_wait3A_224 : memref<240x128xf32, #tpu.memory_space<vmem>>)
    %dma_start3A_230 = arith.constant 1 : i32
    %dma_start3A_231 = arith.constant 0 : i32
    %dma_start3A_232 = arith.constant 0 : i32
    %dma_start3A_233 = tpu.memref_slice %arg17[%dma_start3A_230, %dma_start3A_231, %dma_start3A_232] : memref<3x240x128xf32, #tpu.memory_space<vmem>> -> memref<1x240x128xf32, #tpu.memory_space<vmem>>
    %dma_start3A_234 = tpu.memref_squeeze %dma_start3A_233 : memref<1x240x128xf32, #tpu.memory_space<vmem>> -> memref<240x128xf32, #tpu.memory_space<vmem>>
    %dma_start3A_235 = arith.constant 0 : i32
    %dma_start3A_236 = tpu.memref_slice %arg10[%add3A_24, %dma_start3A_235] : memref<61440x128xf32, #tpu.memory_space<hbm>> -> memref<240x128xf32, #tpu.memory_space<hbm>>
    %dma_start3A_237 = arith.constant 0 : i32
    %dma_start3A_238 = tpu.memref_slice %arg10[%add3A_24, %dma_start3A_237] : memref<61440x128xf32, #tpu.memory_space<hbm>> -> memref<240x128xf32, #tpu.memory_space<hbm>>
    %dma_start3A_239 = arith.constant 0 : i32
    %dma_start3A_240 = arith.constant 0 : i32
    %dma_start3A_241 = tpu.memref_slice %arg17[%dma_start3A_230, %dma_start3A_239, %dma_start3A_240] : memref<3x240x128xf32, #tpu.memory_space<vmem>> -> memref<1x240x128xf32, #tpu.memory_space<vmem>>
    %dma_start3A_242 = tpu.memref_squeeze %dma_start3A_241 : memref<1x240x128xf32, #tpu.memory_space<vmem>> -> memref<240x128xf32, #tpu.memory_space<vmem>>
    tpu.enqueue_dma source(%dma_start3A_242 : memref<240x128xf32, #tpu.memory_space<vmem>>) target(%dma_start3A_238 : memref<240x128xf32, #tpu.memory_space<hbm>>) target_semaphore(%arg25 : memref<!tpu.dma_semaphore, #tpu.memory_space<semaphore_mem>>)
    %dma_wait3A_243 = arith.constant 0 : i32
    %dma_wait3A_244 = arith.constant 0 : i32
    %dma_wait3A_245 = arith.constant 0 : i32
    %dma_wait3A_246 = tpu.memref_slice %arg17[%dma_wait3A_243, %dma_wait3A_244, %dma_wait3A_245] : memref<3x240x128xf32, #tpu.memory_space<vmem>> -> memref<1x240x128xf32, #tpu.memory_space<vmem>>
    %dma_wait3A_247 = tpu.memref_squeeze %dma_wait3A_246 : memref<1x240x128xf32, #tpu.memory_space<vmem>> -> memref<240x128xf32, #tpu.memory_space<vmem>>
    %dma_wait3A_248 = arith.constant 0 : i32
    %dma_wait3A_249 = tpu.memref_slice %arg10[%add3A_22, %dma_wait3A_248] : memref<61440x128xf32, #tpu.memory_space<hbm>> -> memref<240x128xf32, #tpu.memory_space<hbm>>
    %dma_wait3A_250 = arith.constant 0 : i32
    %dma_wait3A_251 = tpu.memref_slice %arg10[%add3A_22, %dma_wait3A_250] : memref<61440x128xf32, #tpu.memory_space<hbm>> -> memref<240x128xf32, #tpu.memory_space<hbm>>
    %dma_wait3A_252 = arith.constant 0 : i32
    %dma_wait3A_253 = arith.constant 0 : i32
    %dma_wait3A_254 = tpu.memref_slice %arg17[%dma_wait3A_243, %dma_wait3A_252, %dma_wait3A_253] : memref<3x240x128xf32, #tpu.memory_space<vmem>> -> memref<1x240x128xf32, #tpu.memory_space<vmem>>
    %dma_wait3A_255 = tpu.memref_squeeze %dma_wait3A_254 : memref<1x240x128xf32, #tpu.memory_space<vmem>> -> memref<240x128xf32, #tpu.memory_space<vmem>>
    tpu.wait_dma2 semaphore(%arg24 : memref<!tpu.dma_semaphore, #tpu.memory_space<semaphore_mem>>) src(%dma_wait3A_255 : memref<240x128xf32, #tpu.memory_space<vmem>>) dst(%dma_wait3A_251 : memref<240x128xf32, #tpu.memory_space<hbm>>)
    %dma_start3A_256 = arith.constant 0 : i32
    %dma_start3A_257 = arith.constant 0 : i32
    %dma_start3A_258 = arith.constant 0 : i32
    %dma_start3A_259 = tpu.memref_slice %arg17[%dma_start3A_256, %dma_start3A_257, %dma_start3A_258] : memref<3x240x128xf32, #tpu.memory_space<vmem>> -> memref<1x240x128xf32, #tpu.memory_space<vmem>>
    %dma_start3A_260 = tpu.memref_squeeze %dma_start3A_259 : memref<1x240x128xf32, #tpu.memory_space<vmem>> -> memref<240x128xf32, #tpu.memory_space<vmem>>
    %dma_start3A_261 = arith.constant 960 : i32
    %dma_start3A_262 = tpu.memref_slice %arg15[%dma_start3A_261] : memref<1920xi32, #tpu.memory_space<vmem>> -> memref<240xi32, #tpu.memory_space<vmem>>
    %dma_start3A_263 = arith.constant 0 : i32
    %dma_start3A_264 = arith.constant 0 : i32
    %dma_start3A_265 = tpu.memref_slice %arg2[%dma_start3A_263, %dma_start3A_264] : memref<50000x128xf32, #tpu.memory_space<hbm>> -> memref<50000x128xf32, #tpu.memory_space<hbm>>
    tpu.enqueue_indirect_dma source(%dma_start3A_265 : memref<50000x128xf32, #tpu.memory_space<hbm>>) target(%dma_start3A_260 : memref<240x128xf32, #tpu.memory_space<vmem>>) offsets(%dma_start3A_262 : memref<240xi32, #tpu.memory_space<vmem>>) semaphore(%arg21 : memref<!tpu.dma_semaphore, #tpu.memory_space<semaphore_mem>>)
    %dma_wait3A_266 = arith.constant 2 : i32
    %dma_wait3A_267 = arith.constant 0 : i32
    %dma_wait3A_268 = arith.constant 0 : i32
    %dma_wait3A_269 = tpu.memref_slice %arg17[%dma_wait3A_266, %dma_wait3A_267, %dma_wait3A_268] : memref<3x240x128xf32, #tpu.memory_space<vmem>> -> memref<1x240x128xf32, #tpu.memory_space<vmem>>
    %dma_wait3A_270 = tpu.memref_squeeze %dma_wait3A_269 : memref<1x240x128xf32, #tpu.memory_space<vmem>> -> memref<240x128xf32, #tpu.memory_space<vmem>>
    %dma_wait3A_271 = arith.constant 720 : i32
    %dma_wait3A_272 = tpu.memref_slice %arg15[%dma_wait3A_271] : memref<1920xi32, #tpu.memory_space<vmem>> -> memref<240xi32, #tpu.memory_space<vmem>>
    %dma_wait3A_273 = arith.constant 0 : i32
    %dma_wait3A_274 = arith.constant 0 : i32
    %dma_wait3A_275 = tpu.memref_slice %arg2[%dma_wait3A_273, %dma_wait3A_274] : memref<50000x128xf32, #tpu.memory_space<hbm>> -> memref<50000x128xf32, #tpu.memory_space<hbm>>
    tpu.wait_indirect_dma semaphore(%arg23 : memref<!tpu.dma_semaphore, #tpu.memory_space<semaphore_mem>>) src(%dma_wait3A_275 : memref<50000x128xf32, #tpu.memory_space<hbm>>) dst(%dma_wait3A_270 : memref<240x128xf32, #tpu.memory_space<vmem>>)
    %dma_start3A_276 = arith.constant 2 : i32
    %dma_start3A_277 = arith.constant 0 : i32
    %dma_start3A_278 = arith.constant 0 : i32
    %dma_start3A_279 = tpu.memref_slice %arg17[%dma_start3A_276, %dma_start3A_277, %dma_start3A_278] : memref<3x240x128xf32, #tpu.memory_space<vmem>> -> memref<1x240x128xf32, #tpu.memory_space<vmem>>
    %dma_start3A_280 = tpu.memref_squeeze %dma_start3A_279 : memref<1x240x128xf32, #tpu.memory_space<vmem>> -> memref<240x128xf32, #tpu.memory_space<vmem>>
    %dma_start3A_281 = arith.constant 0 : i32
    %dma_start3A_282 = tpu.memref_slice %arg10[%add3A_26, %dma_start3A_281] : memref<61440x128xf32, #tpu.memory_space<hbm>> -> memref<240x128xf32, #tpu.memory_space<hbm>>
    %dma_start3A_283 = arith.constant 0 : i32
    %dma_start3A_284 = tpu.memref_slice %arg10[%add3A_26, %dma_start3A_283] : memref<61440x128xf32, #tpu.memory_space<hbm>> -> memref<240x128xf32, #tpu.memory_space<hbm>>
    %dma_start3A_285 = arith.constant 0 : i32
    %dma_start3A_286 = arith.constant 0 : i32
    %dma_start3A_287 = tpu.memref_slice %arg17[%dma_start3A_276, %dma_start3A_285, %dma_start3A_286] : memref<3x240x128xf32, #tpu.memory_space<vmem>> -> memref<1x240x128xf32, #tpu.memory_space<vmem>>
    %dma_start3A_288 = tpu.memref_squeeze %dma_start3A_287 : memref<1x240x128xf32, #tpu.memory_space<vmem>> -> memref<240x128xf32, #tpu.memory_space<vmem>>
    tpu.enqueue_dma source(%dma_start3A_288 : memref<240x128xf32, #tpu.memory_space<vmem>>) target(%dma_start3A_284 : memref<240x128xf32, #tpu.memory_space<hbm>>) target_semaphore(%arg26 : memref<!tpu.dma_semaphore, #tpu.memory_space<semaphore_mem>>)
    %dma_wait3A_289 = arith.constant 1 : i32
    %dma_wait3A_290 = arith.constant 0 : i32
    %dma_wait3A_291 = arith.constant 0 : i32
    %dma_wait3A_292 = tpu.memref_slice %arg17[%dma_wait3A_289, %dma_wait3A_290, %dma_wait3A_291] : memref<3x240x128xf32, #tpu.memory_space<vmem>> -> memref<1x240x128xf32, #tpu.memory_space<vmem>>
    %dma_wait3A_293 = tpu.memref_squeeze %dma_wait3A_292 : memref<1x240x128xf32, #tpu.memory_space<vmem>> -> memref<240x128xf32, #tpu.memory_space<vmem>>
    %dma_wait3A_294 = arith.constant 0 : i32
    %dma_wait3A_295 = tpu.memref_slice %arg10[%add3A_24, %dma_wait3A_294] : memref<61440x128xf32, #tpu.memory_space<hbm>> -> memref<240x128xf32, #tpu.memory_space<hbm>>
    %dma_wait3A_296 = arith.constant 0 : i32
    %dma_wait3A_297 = tpu.memref_slice %arg10[%add3A_24, %dma_wait3A_296] : memref<61440x128xf32, #tpu.memory_space<hbm>> -> memref<240x128xf32, #tpu.memory_space<hbm>>
    %dma_wait3A_298 = arith.constant 0 : i32
    %dma_wait3A_299 = arith.constant 0 : i32
    %dma_wait3A_300 = tpu.memref_slice %arg17[%dma_wait3A_289, %dma_wait3A_298, %dma_wait3A_299] : memref<3x240x128xf32, #tpu.memory_space<vmem>> -> memref<1x240x128xf32, #tpu.memory_space<vmem>>
    %dma_wait3A_301 = tpu.memref_squeeze %dma_wait3A_300 : memref<1x240x128xf32, #tpu.memory_space<vmem>> -> memref<240x128xf32, #tpu.memory_space<vmem>>
    tpu.wait_dma2 semaphore(%arg25 : memref<!tpu.dma_semaphore, #tpu.memory_space<semaphore_mem>>) src(%dma_wait3A_301 : memref<240x128xf32, #tpu.memory_space<vmem>>) dst(%dma_wait3A_297 : memref<240x128xf32, #tpu.memory_space<hbm>>)
    %dma_start3A_302 = arith.constant 1 : i32
    %dma_start3A_303 = arith.constant 0 : i32
    %dma_start3A_304 = arith.constant 0 : i32
    %dma_start3A_305 = tpu.memref_slice %arg17[%dma_start3A_302, %dma_start3A_303, %dma_start3A_304] : memref<3x240x128xf32, #tpu.memory_space<vmem>> -> memref<1x240x128xf32, #tpu.memory_space<vmem>>
    %dma_start3A_306 = tpu.memref_squeeze %dma_start3A_305 : memref<1x240x128xf32, #tpu.memory_space<vmem>> -> memref<240x128xf32, #tpu.memory_space<vmem>>
    %dma_start3A_307 = arith.constant 1200 : i32
    %dma_start3A_308 = tpu.memref_slice %arg15[%dma_start3A_307] : memref<1920xi32, #tpu.memory_space<vmem>> -> memref<240xi32, #tpu.memory_space<vmem>>
    %dma_start3A_309 = arith.constant 0 : i32
    %dma_start3A_310 = arith.constant 0 : i32
    %dma_start3A_311 = tpu.memref_slice %arg2[%dma_start3A_309, %dma_start3A_310] : memref<50000x128xf32, #tpu.memory_space<hbm>> -> memref<50000x128xf32, #tpu.memory_space<hbm>>
    tpu.enqueue_indirect_dma source(%dma_start3A_311 : memref<50000x128xf32, #tpu.memory_space<hbm>>) target(%dma_start3A_306 : memref<240x128xf32, #tpu.memory_space<vmem>>) offsets(%dma_start3A_308 : memref<240xi32, #tpu.memory_space<vmem>>) semaphore(%arg22 : memref<!tpu.dma_semaphore, #tpu.memory_space<semaphore_mem>>)
    %dma_wait3A_312 = arith.constant 0 : i32
    %dma_wait3A_313 = arith.constant 0 : i32
    %dma_wait3A_314 = arith.constant 0 : i32
    %dma_wait3A_315 = tpu.memref_slice %arg17[%dma_wait3A_312, %dma_wait3A_313, %dma_wait3A_314] : memref<3x240x128xf32, #tpu.memory_space<vmem>> -> memref<1x240x128xf32, #tpu.memory_space<vmem>>
    %dma_wait3A_316 = tpu.memref_squeeze %dma_wait3A_315 : memref<1x240x128xf32, #tpu.memory_space<vmem>> -> memref<240x128xf32, #tpu.memory_space<vmem>>
    %dma_wait3A_317 = arith.constant 960 : i32
    %dma_wait3A_318 = tpu.memref_slice %arg15[%dma_wait3A_317] : memref<1920xi32, #tpu.memory_space<vmem>> -> memref<240xi32, #tpu.memory_space<vmem>>
    %dma_wait3A_319 = arith.constant 0 : i32
    %dma_wait3A_320 = arith.constant 0 : i32
    %dma_wait3A_321 = tpu.memref_slice %arg2[%dma_wait3A_319, %dma_wait3A_320] : memref<50000x128xf32, #tpu.memory_space<hbm>> -> memref<50000x128xf32, #tpu.memory_space<hbm>>
    tpu.wait_indirect_dma semaphore(%arg21 : memref<!tpu.dma_semaphore, #tpu.memory_space<semaphore_mem>>) src(%dma_wait3A_321 : memref<50000x128xf32, #tpu.memory_space<hbm>>) dst(%dma_wait3A_316 : memref<240x128xf32, #tpu.memory_space<vmem>>)
    %dma_start3A_322 = arith.constant 0 : i32
    %dma_start3A_323 = arith.constant 0 : i32
    %dma_start3A_324 = arith.constant 0 : i32
    %dma_start3A_325 = tpu.memref_slice %arg17[%dma_start3A_322, %dma_start3A_323, %dma_start3A_324] : memref<3x240x128xf32, #tpu.memory_space<vmem>> -> memref<1x240x128xf32, #tpu.memory_space<vmem>>
    %dma_start3A_326 = tpu.memref_squeeze %dma_start3A_325 : memref<1x240x128xf32, #tpu.memory_space<vmem>> -> memref<240x128xf32, #tpu.memory_space<vmem>>
    %dma_start3A_327 = arith.constant 0 : i32
    %dma_start3A_328 = tpu.memref_slice %arg10[%add3A_28, %dma_start3A_327] : memref<61440x128xf32, #tpu.memory_space<hbm>> -> memref<240x128xf32, #tpu.memory_space<hbm>>
    %dma_start3A_329 = arith.constant 0 : i32
    %dma_start3A_330 = tpu.memref_slice %arg10[%add3A_28, %dma_start3A_329] : memref<61440x128xf32, #tpu.memory_space<hbm>> -> memref<240x128xf32, #tpu.memory_space<hbm>>
    %dma_start3A_331 = arith.constant 0 : i32
    %dma_start3A_332 = arith.constant 0 : i32
    %dma_start3A_333 = tpu.memref_slice %arg17[%dma_start3A_322, %dma_start3A_331, %dma_start3A_332] : memref<3x240x128xf32, #tpu.memory_space<vmem>> -> memref<1x240x128xf32, #tpu.memory_space<vmem>>
    %dma_start3A_334 = tpu.memref_squeeze %dma_start3A_333 : memref<1x240x128xf32, #tpu.memory_space<vmem>> -> memref<240x128xf32, #tpu.memory_space<vmem>>
    tpu.enqueue_dma source(%dma_start3A_334 : memref<240x128xf32, #tpu.memory_space<vmem>>) target(%dma_start3A_330 : memref<240x128xf32, #tpu.memory_space<hbm>>) target_semaphore(%arg24 : memref<!tpu.dma_semaphore, #tpu.memory_space<semaphore_mem>>)
    %dma_wait3A_335 = arith.constant 2 : i32
    %dma_wait3A_336 = arith.constant 0 : i32
    %dma_wait3A_337 = arith.constant 0 : i32
    %dma_wait3A_338 = tpu.memref_slice %arg17[%dma_wait3A_335, %dma_wait3A_336, %dma_wait3A_337] : memref<3x240x128xf32, #tpu.memory_space<vmem>> -> memref<1x240x128xf32, #tpu.memory_space<vmem>>
    %dma_wait3A_339 = tpu.memref_squeeze %dma_wait3A_338 : memref<1x240x128xf32, #tpu.memory_space<vmem>> -> memref<240x128xf32, #tpu.memory_space<vmem>>
    %dma_wait3A_340 = arith.constant 0 : i32
    %dma_wait3A_341 = tpu.memref_slice %arg10[%add3A_26, %dma_wait3A_340] : memref<61440x128xf32, #tpu.memory_space<hbm>> -> memref<240x128xf32, #tpu.memory_space<hbm>>
    %dma_wait3A_342 = arith.constant 0 : i32
    %dma_wait3A_343 = tpu.memref_slice %arg10[%add3A_26, %dma_wait3A_342] : memref<61440x128xf32, #tpu.memory_space<hbm>> -> memref<240x128xf32, #tpu.memory_space<hbm>>
    %dma_wait3A_344 = arith.constant 0 : i32
    %dma_wait3A_345 = arith.constant 0 : i32
    %dma_wait3A_346 = tpu.memref_slice %arg17[%dma_wait3A_335, %dma_wait3A_344, %dma_wait3A_345] : memref<3x240x128xf32, #tpu.memory_space<vmem>> -> memref<1x240x128xf32, #tpu.memory_space<vmem>>
    %dma_wait3A_347 = tpu.memref_squeeze %dma_wait3A_346 : memref<1x240x128xf32, #tpu.memory_space<vmem>> -> memref<240x128xf32, #tpu.memory_space<vmem>>
    tpu.wait_dma2 semaphore(%arg26 : memref<!tpu.dma_semaphore, #tpu.memory_space<semaphore_mem>>) src(%dma_wait3A_347 : memref<240x128xf32, #tpu.memory_space<vmem>>) dst(%dma_wait3A_343 : memref<240x128xf32, #tpu.memory_space<hbm>>)
    %dma_start3A_348 = arith.constant 2 : i32
    %dma_start3A_349 = arith.constant 0 : i32
    %dma_start3A_350 = arith.constant 0 : i32
    %dma_start3A_351 = tpu.memref_slice %arg17[%dma_start3A_348, %dma_start3A_349, %dma_start3A_350] : memref<3x240x128xf32, #tpu.memory_space<vmem>> -> memref<1x240x128xf32, #tpu.memory_space<vmem>>
    %dma_start3A_352 = tpu.memref_squeeze %dma_start3A_351 : memref<1x240x128xf32, #tpu.memory_space<vmem>> -> memref<240x128xf32, #tpu.memory_space<vmem>>
    %dma_start3A_353 = arith.constant 1440 : i32
    %dma_start3A_354 = tpu.memref_slice %arg15[%dma_start3A_353] : memref<1920xi32, #tpu.memory_space<vmem>> -> memref<240xi32, #tpu.memory_space<vmem>>
    %dma_start3A_355 = arith.constant 0 : i32
    %dma_start3A_356 = arith.constant 0 : i32
    %dma_start3A_357 = tpu.memref_slice %arg2[%dma_start3A_355, %dma_start3A_356] : memref<50000x128xf32, #tpu.memory_space<hbm>> -> memref<50000x128xf32, #tpu.memory_space<hbm>>
    tpu.enqueue_indirect_dma source(%dma_start3A_357 : memref<50000x128xf32, #tpu.memory_space<hbm>>) target(%dma_start3A_352 : memref<240x128xf32, #tpu.memory_space<vmem>>) offsets(%dma_start3A_354 : memref<240xi32, #tpu.memory_space<vmem>>) semaphore(%arg23 : memref<!tpu.dma_semaphore, #tpu.memory_space<semaphore_mem>>)
    %dma_wait3A_358 = arith.constant 1 : i32
    %dma_wait3A_359 = arith.constant 0 : i32
    %dma_wait3A_360 = arith.constant 0 : i32
    %dma_wait3A_361 = tpu.memref_slice %arg17[%dma_wait3A_358, %dma_wait3A_359, %dma_wait3A_360] : memref<3x240x128xf32, #tpu.memory_space<vmem>> -> memref<1x240x128xf32, #tpu.memory_space<vmem>>
    %dma_wait3A_362 = tpu.memref_squeeze %dma_wait3A_361 : memref<1x240x128xf32, #tpu.memory_space<vmem>> -> memref<240x128xf32, #tpu.memory_space<vmem>>
    %dma_wait3A_363 = arith.constant 1200 : i32
    %dma_wait3A_364 = tpu.memref_slice %arg15[%dma_wait3A_363] : memref<1920xi32, #tpu.memory_space<vmem>> -> memref<240xi32, #tpu.memory_space<vmem>>
    %dma_wait3A_365 = arith.constant 0 : i32
    %dma_wait3A_366 = arith.constant 0 : i32
    %dma_wait3A_367 = tpu.memref_slice %arg2[%dma_wait3A_365, %dma_wait3A_366] : memref<50000x128xf32, #tpu.memory_space<hbm>> -> memref<50000x128xf32, #tpu.memory_space<hbm>>
    tpu.wait_indirect_dma semaphore(%arg22 : memref<!tpu.dma_semaphore, #tpu.memory_space<semaphore_mem>>) src(%dma_wait3A_367 : memref<50000x128xf32, #tpu.memory_space<hbm>>) dst(%dma_wait3A_362 : memref<240x128xf32, #tpu.memory_space<vmem>>)
    %dma_start3A_368 = arith.constant 1 : i32
    %dma_start3A_369 = arith.constant 0 : i32
    %dma_start3A_370 = arith.constant 0 : i32
    %dma_start3A_371 = tpu.memref_slice %arg17[%dma_start3A_368, %dma_start3A_369, %dma_start3A_370] : memref<3x240x128xf32, #tpu.memory_space<vmem>> -> memref<1x240x128xf32, #tpu.memory_space<vmem>>
    %dma_start3A_372 = tpu.memref_squeeze %dma_start3A_371 : memref<1x240x128xf32, #tpu.memory_space<vmem>> -> memref<240x128xf32, #tpu.memory_space<vmem>>
    %dma_start3A_373 = arith.constant 0 : i32
    %dma_start3A_374 = tpu.memref_slice %arg10[%add3A_30, %dma_start3A_373] : memref<61440x128xf32, #tpu.memory_space<hbm>> -> memref<240x128xf32, #tpu.memory_space<hbm>>
    %dma_start3A_375 = arith.constant 0 : i32
    %dma_start3A_376 = tpu.memref_slice %arg10[%add3A_30, %dma_start3A_375] : memref<61440x128xf32, #tpu.memory_space<hbm>> -> memref<240x128xf32, #tpu.memory_space<hbm>>
    %dma_start3A_377 = arith.constant 0 : i32
    %dma_start3A_378 = arith.constant 0 : i32
    %dma_start3A_379 = tpu.memref_slice %arg17[%dma_start3A_368, %dma_start3A_377, %dma_start3A_378] : memref<3x240x128xf32, #tpu.memory_space<vmem>> -> memref<1x240x128xf32, #tpu.memory_space<vmem>>
    %dma_start3A_380 = tpu.memref_squeeze %dma_start3A_379 : memref<1x240x128xf32, #tpu.memory_space<vmem>> -> memref<240x128xf32, #tpu.memory_space<vmem>>
    tpu.enqueue_dma source(%dma_start3A_380 : memref<240x128xf32, #tpu.memory_space<vmem>>) target(%dma_start3A_376 : memref<240x128xf32, #tpu.memory_space<hbm>>) target_semaphore(%arg25 : memref<!tpu.dma_semaphore, #tpu.memory_space<semaphore_mem>>)
    %dma_wait3A_381 = arith.constant 0 : i32
    %dma_wait3A_382 = arith.constant 0 : i32
    %dma_wait3A_383 = arith.constant 0 : i32
    %dma_wait3A_384 = tpu.memref_slice %arg17[%dma_wait3A_381, %dma_wait3A_382, %dma_wait3A_383] : memref<3x240x128xf32, #tpu.memory_space<vmem>> -> memref<1x240x128xf32, #tpu.memory_space<vmem>>
    %dma_wait3A_385 = tpu.memref_squeeze %dma_wait3A_384 : memref<1x240x128xf32, #tpu.memory_space<vmem>> -> memref<240x128xf32, #tpu.memory_space<vmem>>
    %dma_wait3A_386 = arith.constant 0 : i32
    %dma_wait3A_387 = tpu.memref_slice %arg10[%add3A_28, %dma_wait3A_386] : memref<61440x128xf32, #tpu.memory_space<hbm>> -> memref<240x128xf32, #tpu.memory_space<hbm>>
    %dma_wait3A_388 = arith.constant 0 : i32
    %dma_wait3A_389 = tpu.memref_slice %arg10[%add3A_28, %dma_wait3A_388] : memref<61440x128xf32, #tpu.memory_space<hbm>> -> memref<240x128xf32, #tpu.memory_space<hbm>>
    %dma_wait3A_390 = arith.constant 0 : i32
    %dma_wait3A_391 = arith.constant 0 : i32
    %dma_wait3A_392 = tpu.memref_slice %arg17[%dma_wait3A_381, %dma_wait3A_390, %dma_wait3A_391] : memref<3x240x128xf32, #tpu.memory_space<vmem>> -> memref<1x240x128xf32, #tpu.memory_space<vmem>>
    %dma_wait3A_393 = tpu.memref_squeeze %dma_wait3A_392 : memref<1x240x128xf32, #tpu.memory_space<vmem>> -> memref<240x128xf32, #tpu.memory_space<vmem>>
    tpu.wait_dma2 semaphore(%arg24 : memref<!tpu.dma_semaphore, #tpu.memory_space<semaphore_mem>>) src(%dma_wait3A_393 : memref<240x128xf32, #tpu.memory_space<vmem>>) dst(%dma_wait3A_389 : memref<240x128xf32, #tpu.memory_space<hbm>>)
    %dma_start3A_394 = arith.constant 0 : i32
    %dma_start3A_395 = arith.constant 0 : i32
    %dma_start3A_396 = arith.constant 0 : i32
    %dma_start3A_397 = tpu.memref_slice %arg17[%dma_start3A_394, %dma_start3A_395, %dma_start3A_396] : memref<3x240x128xf32, #tpu.memory_space<vmem>> -> memref<1x240x128xf32, #tpu.memory_space<vmem>>
    %dma_start3A_398 = tpu.memref_squeeze %dma_start3A_397 : memref<1x240x128xf32, #tpu.memory_space<vmem>> -> memref<240x128xf32, #tpu.memory_space<vmem>>
    %dma_start3A_399 = arith.constant 1680 : i32
    %dma_start3A_400 = tpu.memref_slice %arg15[%dma_start3A_399] : memref<1920xi32, #tpu.memory_space<vmem>> -> memref<240xi32, #tpu.memory_space<vmem>>
    %dma_start3A_401 = arith.constant 0 : i32
    %dma_start3A_402 = arith.constant 0 : i32
    %dma_start3A_403 = tpu.memref_slice %arg2[%dma_start3A_401, %dma_start3A_402] : memref<50000x128xf32, #tpu.memory_space<hbm>> -> memref<50000x128xf32, #tpu.memory_space<hbm>>
    tpu.enqueue_indirect_dma source(%dma_start3A_403 : memref<50000x128xf32, #tpu.memory_space<hbm>>) target(%dma_start3A_398 : memref<240x128xf32, #tpu.memory_space<vmem>>) offsets(%dma_start3A_400 : memref<240xi32, #tpu.memory_space<vmem>>) semaphore(%arg21 : memref<!tpu.dma_semaphore, #tpu.memory_space<semaphore_mem>>)
    %dma_wait3A_404 = arith.constant 2 : i32
    %dma_wait3A_405 = arith.constant 0 : i32
    %dma_wait3A_406 = arith.constant 0 : i32
    %dma_wait3A_407 = tpu.memref_slice %arg17[%dma_wait3A_404, %dma_wait3A_405, %dma_wait3A_406] : memref<3x240x128xf32, #tpu.memory_space<vmem>> -> memref<1x240x128xf32, #tpu.memory_space<vmem>>
    %dma_wait3A_408 = tpu.memref_squeeze %dma_wait3A_407 : memref<1x240x128xf32, #tpu.memory_space<vmem>> -> memref<240x128xf32, #tpu.memory_space<vmem>>
    %dma_wait3A_409 = arith.constant 1440 : i32
    %dma_wait3A_410 = tpu.memref_slice %arg15[%dma_wait3A_409] : memref<1920xi32, #tpu.memory_space<vmem>> -> memref<240xi32, #tpu.memory_space<vmem>>
    %dma_wait3A_411 = arith.constant 0 : i32
    %dma_wait3A_412 = arith.constant 0 : i32
    %dma_wait3A_413 = tpu.memref_slice %arg2[%dma_wait3A_411, %dma_wait3A_412] : memref<50000x128xf32, #tpu.memory_space<hbm>> -> memref<50000x128xf32, #tpu.memory_space<hbm>>
    tpu.wait_indirect_dma semaphore(%arg23 : memref<!tpu.dma_semaphore, #tpu.memory_space<semaphore_mem>>) src(%dma_wait3A_413 : memref<50000x128xf32, #tpu.memory_space<hbm>>) dst(%dma_wait3A_408 : memref<240x128xf32, #tpu.memory_space<vmem>>)
    %dma_start3A_414 = arith.constant 2 : i32
    %dma_start3A_415 = arith.constant 0 : i32
    %dma_start3A_416 = arith.constant 0 : i32
    %dma_start3A_417 = tpu.memref_slice %arg17[%dma_start3A_414, %dma_start3A_415, %dma_start3A_416] : memref<3x240x128xf32, #tpu.memory_space<vmem>> -> memref<1x240x128xf32, #tpu.memory_space<vmem>>
    %dma_start3A_418 = tpu.memref_squeeze %dma_start3A_417 : memref<1x240x128xf32, #tpu.memory_space<vmem>> -> memref<240x128xf32, #tpu.memory_space<vmem>>
    %dma_start3A_419 = arith.constant 0 : i32
    %dma_start3A_420 = tpu.memref_slice %arg10[%add3A_32, %dma_start3A_419] : memref<61440x128xf32, #tpu.memory_space<hbm>> -> memref<240x128xf32, #tpu.memory_space<hbm>>
    %dma_start3A_421 = arith.constant 0 : i32
    %dma_start3A_422 = tpu.memref_slice %arg10[%add3A_32, %dma_start3A_421] : memref<61440x128xf32, #tpu.memory_space<hbm>> -> memref<240x128xf32, #tpu.memory_space<hbm>>
    %dma_start3A_423 = arith.constant 0 : i32
    %dma_start3A_424 = arith.constant 0 : i32
    %dma_start3A_425 = tpu.memref_slice %arg17[%dma_start3A_414, %dma_start3A_423, %dma_start3A_424] : memref<3x240x128xf32, #tpu.memory_space<vmem>> -> memref<1x240x128xf32, #tpu.memory_space<vmem>>
    %dma_start3A_426 = tpu.memref_squeeze %dma_start3A_425 : memref<1x240x128xf32, #tpu.memory_space<vmem>> -> memref<240x128xf32, #tpu.memory_space<vmem>>
    tpu.enqueue_dma source(%dma_start3A_426 : memref<240x128xf32, #tpu.memory_space<vmem>>) target(%dma_start3A_422 : memref<240x128xf32, #tpu.memory_space<hbm>>) target_semaphore(%arg26 : memref<!tpu.dma_semaphore, #tpu.memory_space<semaphore_mem>>)
    %dma_wait3A_427 = arith.constant 0 : i32
    %dma_wait3A_428 = arith.constant 0 : i32
    %dma_wait3A_429 = arith.constant 0 : i32
    %dma_wait3A_430 = tpu.memref_slice %arg17[%dma_wait3A_427, %dma_wait3A_428, %dma_wait3A_429] : memref<3x240x128xf32, #tpu.memory_space<vmem>> -> memref<1x240x128xf32, #tpu.memory_space<vmem>>
    %dma_wait3A_431 = tpu.memref_squeeze %dma_wait3A_430 : memref<1x240x128xf32, #tpu.memory_space<vmem>> -> memref<240x128xf32, #tpu.memory_space<vmem>>
    %dma_wait3A_432 = arith.constant 1680 : i32
    %dma_wait3A_433 = tpu.memref_slice %arg15[%dma_wait3A_432] : memref<1920xi32, #tpu.memory_space<vmem>> -> memref<240xi32, #tpu.memory_space<vmem>>
    %dma_wait3A_434 = arith.constant 0 : i32
    %dma_wait3A_435 = arith.constant 0 : i32
    %dma_wait3A_436 = tpu.memref_slice %arg2[%dma_wait3A_434, %dma_wait3A_435] : memref<50000x128xf32, #tpu.memory_space<hbm>> -> memref<50000x128xf32, #tpu.memory_space<hbm>>
    tpu.wait_indirect_dma semaphore(%arg21 : memref<!tpu.dma_semaphore, #tpu.memory_space<semaphore_mem>>) src(%dma_wait3A_436 : memref<50000x128xf32, #tpu.memory_space<hbm>>) dst(%dma_wait3A_431 : memref<240x128xf32, #tpu.memory_space<vmem>>)
    %dma_start3A_437 = arith.constant 0 : i32
    %dma_start3A_438 = arith.constant 0 : i32
    %dma_start3A_439 = arith.constant 0 : i32
    %dma_start3A_440 = tpu.memref_slice %arg17[%dma_start3A_437, %dma_start3A_438, %dma_start3A_439] : memref<3x240x128xf32, #tpu.memory_space<vmem>> -> memref<1x240x128xf32, #tpu.memory_space<vmem>>
    %dma_start3A_441 = tpu.memref_squeeze %dma_start3A_440 : memref<1x240x128xf32, #tpu.memory_space<vmem>> -> memref<240x128xf32, #tpu.memory_space<vmem>>
    %dma_start3A_442 = arith.constant 0 : i32
    %dma_start3A_443 = tpu.memref_slice %arg10[%add3A_34, %dma_start3A_442] : memref<61440x128xf32, #tpu.memory_space<hbm>> -> memref<240x128xf32, #tpu.memory_space<hbm>>
    %dma_start3A_444 = arith.constant 0 : i32
    %dma_start3A_445 = tpu.memref_slice %arg10[%add3A_34, %dma_start3A_444] : memref<61440x128xf32, #tpu.memory_space<hbm>> -> memref<240x128xf32, #tpu.memory_space<hbm>>
    %dma_start3A_446 = arith.constant 0 : i32
    %dma_start3A_447 = arith.constant 0 : i32
    %dma_start3A_448 = tpu.memref_slice %arg17[%dma_start3A_437, %dma_start3A_446, %dma_start3A_447] : memref<3x240x128xf32, #tpu.memory_space<vmem>> -> memref<1x240x128xf32, #tpu.memory_space<vmem>>
    %dma_start3A_449 = tpu.memref_squeeze %dma_start3A_448 : memref<1x240x128xf32, #tpu.memory_space<vmem>> -> memref<240x128xf32, #tpu.memory_space<vmem>>
    tpu.enqueue_dma source(%dma_start3A_449 : memref<240x128xf32, #tpu.memory_space<vmem>>) target(%dma_start3A_445 : memref<240x128xf32, #tpu.memory_space<hbm>>) target_semaphore(%arg24 : memref<!tpu.dma_semaphore, #tpu.memory_space<semaphore_mem>>)
    %dma_wait3A_450 = arith.constant 1 : i32
    %dma_wait3A_451 = arith.constant 0 : i32
    %dma_wait3A_452 = arith.constant 0 : i32
    %dma_wait3A_453 = tpu.memref_slice %arg17[%dma_wait3A_450, %dma_wait3A_451, %dma_wait3A_452] : memref<3x240x128xf32, #tpu.memory_space<vmem>> -> memref<1x240x128xf32, #tpu.memory_space<vmem>>
    %dma_wait3A_454 = tpu.memref_squeeze %dma_wait3A_453 : memref<1x240x128xf32, #tpu.memory_space<vmem>> -> memref<240x128xf32, #tpu.memory_space<vmem>>
    %dma_wait3A_455 = arith.constant 0 : i32
    %dma_wait3A_456 = tpu.memref_slice %arg10[%add3A_30, %dma_wait3A_455] : memref<61440x128xf32, #tpu.memory_space<hbm>> -> memref<240x128xf32, #tpu.memory_space<hbm>>
    %dma_wait3A_457 = arith.constant 0 : i32
    %dma_wait3A_458 = tpu.memref_slice %arg10[%add3A_30, %dma_wait3A_457] : memref<61440x128xf32, #tpu.memory_space<hbm>> -> memref<240x128xf32, #tpu.memory_space<hbm>>
    %dma_wait3A_459 = arith.constant 0 : i32
    %dma_wait3A_460 = arith.constant 0 : i32
    %dma_wait3A_461 = tpu.memref_slice %arg17[%dma_wait3A_450, %dma_wait3A_459, %dma_wait3A_460] : memref<3x240x128xf32, #tpu.memory_space<vmem>> -> memref<1x240x128xf32, #tpu.memory_space<vmem>>
    %dma_wait3A_462 = tpu.memref_squeeze %dma_wait3A_461 : memref<1x240x128xf32, #tpu.memory_space<vmem>> -> memref<240x128xf32, #tpu.memory_space<vmem>>
    tpu.wait_dma2 semaphore(%arg25 : memref<!tpu.dma_semaphore, #tpu.memory_space<semaphore_mem>>) src(%dma_wait3A_462 : memref<240x128xf32, #tpu.memory_space<vmem>>) dst(%dma_wait3A_458 : memref<240x128xf32, #tpu.memory_space<hbm>>)
    %dma_wait3A_463 = arith.constant 2 : i32
    %dma_wait3A_464 = arith.constant 0 : i32
    %dma_wait3A_465 = arith.constant 0 : i32
    %dma_wait3A_466 = tpu.memref_slice %arg17[%dma_wait3A_463, %dma_wait3A_464, %dma_wait3A_465] : memref<3x240x128xf32, #tpu.memory_space<vmem>> -> memref<1x240x128xf32, #tpu.memory_space<vmem>>
    %dma_wait3A_467 = tpu.memref_squeeze %dma_wait3A_466 : memref<1x240x128xf32, #tpu.memory_space<vmem>> -> memref<240x128xf32, #tpu.memory_space<vmem>>
    %dma_wait3A_468 = arith.constant 0 : i32
    %dma_wait3A_469 = tpu.memref_slice %arg10[%add3A_32, %dma_wait3A_468] : memref<61440x128xf32, #tpu.memory_space<hbm>> -> memref<240x128xf32, #tpu.memory_space<hbm>>
    %dma_wait3A_470 = arith.constant 0 : i32
    %dma_wait3A_471 = tpu.memref_slice %arg10[%add3A_32, %dma_wait3A_470] : memref<61440x128xf32, #tpu.memory_space<hbm>> -> memref<240x128xf32, #tpu.memory_space<hbm>>
    %dma_wait3A_472 = arith.constant 0 : i32
    %dma_wait3A_473 = arith.constant 0 : i32
    %dma_wait3A_474 = tpu.memref_slice %arg17[%dma_wait3A_463, %dma_wait3A_472, %dma_wait3A_473] : memref<3x240x128xf32, #tpu.memory_space<vmem>> -> memref<1x240x128xf32, #tpu.memory_space<vmem>>
    %dma_wait3A_475 = tpu.memref_squeeze %dma_wait3A_474 : memref<1x240x128xf32, #tpu.memory_space<vmem>> -> memref<240x128xf32, #tpu.memory_space<vmem>>
    tpu.wait_dma2 semaphore(%arg26 : memref<!tpu.dma_semaphore, #tpu.memory_space<semaphore_mem>>) src(%dma_wait3A_475 : memref<240x128xf32, #tpu.memory_space<vmem>>) dst(%dma_wait3A_471 : memref<240x128xf32, #tpu.memory_space<hbm>>)
    %dma_wait3A_476 = arith.constant 0 : i32
    %dma_wait3A_477 = arith.constant 0 : i32
    %dma_wait3A_478 = arith.constant 0 : i32
    %dma_wait3A_479 = tpu.memref_slice %arg17[%dma_wait3A_476, %dma_wait3A_477, %dma_wait3A_478] : memref<3x240x128xf32, #tpu.memory_space<vmem>> -> memref<1x240x128xf32, #tpu.memory_space<vmem>>
    %dma_wait3A_480 = tpu.memref_squeeze %dma_wait3A_479 : memref<1x240x128xf32, #tpu.memory_space<vmem>> -> memref<240x128xf32, #tpu.memory_space<vmem>>
    %dma_wait3A_481 = arith.constant 0 : i32
    %dma_wait3A_482 = tpu.memref_slice %arg10[%add3A_34, %dma_wait3A_481] : memref<61440x128xf32, #tpu.memory_space<hbm>> -> memref<240x128xf32, #tpu.memory_space<hbm>>
    %dma_wait3A_483 = arith.constant 0 : i32
    %dma_wait3A_484 = tpu.memref_slice %arg10[%add3A_34, %dma_wait3A_483] : memref<61440x128xf32, #tpu.memory_space<hbm>> -> memref<240x128xf32, #tpu.memory_space<hbm>>
    %dma_wait3A_485 = arith.constant 0 : i32
    %dma_wait3A_486 = arith.constant 0 : i32
    %dma_wait3A_487 = tpu.memref_slice %arg17[%dma_wait3A_476, %dma_wait3A_485, %dma_wait3A_486] : memref<3x240x128xf32, #tpu.memory_space<vmem>> -> memref<1x240x128xf32, #tpu.memory_space<vmem>>
    %dma_wait3A_488 = tpu.memref_squeeze %dma_wait3A_487 : memref<1x240x128xf32, #tpu.memory_space<vmem>> -> memref<240x128xf32, #tpu.memory_space<vmem>>
    tpu.wait_dma2 semaphore(%arg24 : memref<!tpu.dma_semaphore, #tpu.memory_space<semaphore_mem>>) src(%dma_wait3A_488 : memref<240x128xf32, #tpu.memory_space<vmem>>) dst(%dma_wait3A_484 : memref<240x128xf32, #tpu.memory_space<hbm>>)
    %dma_wait3A_489 = arith.constant 0 : i32
    %dma_wait3A_490 = tpu.memref_slice %arg7[%dma_wait3A_489] : memref<600000xf32, #tpu.memory_space<hbm>> -> memref<600000xf32, #tpu.memory_space<hbm>>
    tpu.wait_indirect_dma semaphore(%arg20 : memref<!tpu.dma_semaphore, #tpu.memory_space<semaphore_mem>>) src(%dma_wait3A_490 : memref<600000xf32, #tpu.memory_space<hbm>>) dst(%arg16 : memref<1920xf32, #tpu.memory_space<vmem>>)
    "tpu.region"() ({
      %run_scoped3A = tpu.sem_alloc : memref<!tpu.dma_semaphore, #tpu.memory_space<semaphore_mem>>
      %dma_start3A_491 = tpu.memref_slice %arg11[%mul3A_4] : memref<61440xf32, #tpu.memory_space<hbm>> -> memref<1920xf32, #tpu.memory_space<hbm>>
      %dma_start3A_492 = tpu.memref_slice %arg11[%mul3A_4] : memref<61440xf32, #tpu.memory_space<hbm>> -> memref<1920xf32, #tpu.memory_space<hbm>>
      tpu.enqueue_dma source(%arg16 : memref<1920xf32, #tpu.memory_space<vmem>>) target(%dma_start3A_492 : memref<1920xf32, #tpu.memory_space<hbm>>) target_semaphore(%run_scoped3A : memref<!tpu.dma_semaphore, #tpu.memory_space<semaphore_mem>>)
      %dma_wait3A_493 = tpu.memref_slice %arg11[%mul3A_4] : memref<61440xf32, #tpu.memory_space<hbm>> -> memref<1920xf32, #tpu.memory_space<hbm>>
      %dma_wait3A_494 = tpu.memref_slice %arg11[%mul3A_4] : memref<61440xf32, #tpu.memory_space<hbm>> -> memref<1920xf32, #tpu.memory_space<hbm>>
      tpu.wait_dma2 semaphore(%run_scoped3A : memref<!tpu.dma_semaphore, #tpu.memory_space<semaphore_mem>>) src(%arg16 : memref<1920xf32, #tpu.memory_space<vmem>>) dst(%dma_wait3A_494 : memref<1920xf32, #tpu.memory_space<hbm>>)
      tpu.yield
    }) : () -> ()
    return
  }
}

module attributes {stable_mosaic.version = 14 : i64} {
  func.func @_tc_body(%arg0: i32, %arg1: memref<1x50x128xf32, #tpu.memory_space<vmem>>, %arg2: memref<1x50x128xf32, #tpu.memory_space<vmem>>, %arg3: memref<600x128xf32, #tpu.memory_space<vmem>>, %arg4: memref<1x50x12xf32, #tpu.memory_space<vmem>>, %arg5: memref<1x50x50xi32, #tpu.memory_space<vmem>>, %arg6: memref<1x1x50xf32, #tpu.memory_space<vmem>>, %arg7: memref<4x128xf32, #tpu.memory_space<vmem>>, %arg8: memref<128x128xf32, #tpu.memory_space<vmem>>, %arg9: memref<1x128xf32, #tpu.memory_space<vmem>>, %arg10: memref<1x128xf32, #tpu.memory_space<vmem>>, %arg11: memref<128x128xf32, #tpu.memory_space<vmem>>, %arg12: memref<128x128xf32, #tpu.memory_space<vmem>>, %arg13: memref<1x50x128xf32, #tpu.memory_space<vmem>>) attributes {dimension_semantics = [#tpu.dimension_semantics<arbitrary>], iteration_bounds = array<i64: 100>, scalar_prefetch = 0 : i64, scratch_operands = 0 : i64, tpu.core_type = #tpu.core_type<tc>, window_params = [{transform_indices = @transform_0, window_bounds = array<i64: 1, 50, 128>}, {transform_indices = @transform_1, window_bounds = array<i64: 1, 50, 128>}, {transform_indices = @transform_2, window_bounds = array<i64: 600, 128>}, {transform_indices = @transform_3, window_bounds = array<i64: 1, 50, 12>}, {transform_indices = @transform_4, window_bounds = array<i64: 1, 50, 50>}, {transform_indices = @transform_5, window_bounds = array<i64: 1, 1, 50>}, {pipeline_mode = #tpu.pipeline_mode<synchronous>, transform_indices = @transform_6, window_bounds = array<i64: 4, 128>}, {pipeline_mode = #tpu.pipeline_mode<synchronous>, transform_indices = @transform_7, window_bounds = array<i64: 128, 128>}, {pipeline_mode = #tpu.pipeline_mode<synchronous>, transform_indices = @transform_8, window_bounds = array<i64: 1, 128>}, {pipeline_mode = #tpu.pipeline_mode<synchronous>, transform_indices = @transform_9, window_bounds = array<i64: 1, 128>}, {pipeline_mode = #tpu.pipeline_mode<synchronous>, transform_indices = @transform_10, window_bounds = array<i64: 128, 128>}, {pipeline_mode = #tpu.pipeline_mode<synchronous>, transform_indices = @transform_11, window_bounds = array<i64: 128, 128>}, {transform_indices = @transform_12, window_bounds = array<i64: 1, 50, 128>}]} {
    %get3A = arith.constant 0 : index
    %get3A_0 = arith.constant 0 : index
    %get3A_1 = arith.constant 0 : index
    %get3A_2 = vector.load %arg1[%get3A, %get3A_0, %get3A_1] : memref<1x50x128xf32, #tpu.memory_space<vmem>>, vector<1x50x128xf32>
    %get3A_3 = vector.shape_cast %get3A_2 : vector<1x50x128xf32> to vector<50x128xf32>
    %get3A_4 = arith.constant 0 : index
    %get3A_5 = arith.constant 0 : index
    %get3A_6 = arith.constant 0 : index
    %get3A_7 = vector.load %arg5[%get3A_4, %get3A_5, %get3A_6] : memref<1x50x50xi32, #tpu.memory_space<vmem>>, vector<1x50x50xi32>
    %get3A_8 = vector.shape_cast %get3A_7 : vector<1x50x50xi32> to vector<50x50xi32>
    %get3A_9 = arith.constant 0 : index
    %get3A_10 = arith.constant 0 : index
    %get3A_11 = vector.load %arg7[%get3A_9, %get3A_10] : memref<4x128xf32, #tpu.memory_space<vmem>>, vector<4x128xf32>
    %slice3A = vector.extract_strided_slice %get3A_11 {offsets = [0, 0], sizes = [1, 128], strides = [1, 1]} : vector<4x128xf32> to vector<1x128xf32>
    %squeeze3A = vector.shape_cast %slice3A : vector<1x128xf32> to vector<128xf32>
    %broadcast_in_dim3A = vector.shape_cast %squeeze3A : vector<128xf32> to vector<1x128xf32>
    %mul3A = vector.broadcast %broadcast_in_dim3A : vector<1x128xf32> to vector<50x128xf32>
    %mul3A_12 = arith.mulf %get3A_3, %mul3A : vector<50x128xf32>
    %dot_general3A = arith.constant dense<0.000000e+00> : vector<50x50xf32>
    %dot_general3A_13 = tpu.matmul %mul3A_12, %get3A_3, %dot_general3A {dimension_numbers = #tpu.dot_dimension_numbers<[1], [1], [0], [0], [0, 0, 1, 0], [], []>, transpose_lhs_hint = false} : vector<50x128xf32>, vector<50x128xf32>, vector<50x50xf32> -> vector<50x50xf32>
    %slice3A_14 = vector.extract_strided_slice %get3A_11 {offsets = [1, 0], sizes = [1, 128], strides = [1, 1]} : vector<4x128xf32> to vector<1x128xf32>
    %squeeze3A_15 = vector.shape_cast %slice3A_14 : vector<1x128xf32> to vector<128xf32>
    %broadcast_in_dim3A_16 = vector.shape_cast %squeeze3A_15 : vector<128xf32> to vector<1x128xf32>
    %mul3A_17 = vector.broadcast %broadcast_in_dim3A_16 : vector<1x128xf32> to vector<50x128xf32>
    %mul3A_18 = arith.mulf %get3A_3, %mul3A_17 : vector<50x128xf32>
    %dot_general3A_19 = arith.constant dense<0.000000e+00> : vector<50x50xf32>
    %dot_general3A_20 = tpu.matmul %mul3A_18, %get3A_3, %dot_general3A_19 {dimension_numbers = #tpu.dot_dimension_numbers<[1], [1], [0], [0], [0, 0, 1, 0], [], []>, transpose_lhs_hint = false} : vector<50x128xf32>, vector<50x128xf32>, vector<50x50xf32> -> vector<50x50xf32>
    %slice3A_21 = vector.extract_strided_slice %get3A_11 {offsets = [2, 0], sizes = [1, 128], strides = [1, 1]} : vector<4x128xf32> to vector<1x128xf32>
    %squeeze3A_22 = vector.shape_cast %slice3A_21 : vector<1x128xf32> to vector<128xf32>
    %broadcast_in_dim3A_23 = vector.shape_cast %squeeze3A_22 : vector<128xf32> to vector<1x128xf32>
    %mul3A_24 = vector.broadcast %broadcast_in_dim3A_23 : vector<1x128xf32> to vector<50x128xf32>
    %mul3A_25 = arith.mulf %get3A_3, %mul3A_24 : vector<50x128xf32>
    %dot_general3A_26 = arith.constant dense<0.000000e+00> : vector<50x50xf32>
    %dot_general3A_27 = tpu.matmul %mul3A_25, %get3A_3, %dot_general3A_26 {dimension_numbers = #tpu.dot_dimension_numbers<[1], [1], [0], [0], [0, 0, 1, 0], [], []>, transpose_lhs_hint = false} : vector<50x128xf32>, vector<50x128xf32>, vector<50x50xf32> -> vector<50x50xf32>
    %slice3A_28 = vector.extract_strided_slice %get3A_11 {offsets = [3, 0], sizes = [1, 128], strides = [1, 1]} : vector<4x128xf32> to vector<1x128xf32>
    %squeeze3A_29 = vector.shape_cast %slice3A_28 : vector<1x128xf32> to vector<128xf32>
    %broadcast_in_dim3A_30 = vector.shape_cast %squeeze3A_29 : vector<128xf32> to vector<1x128xf32>
    %mul3A_31 = vector.broadcast %broadcast_in_dim3A_30 : vector<1x128xf32> to vector<50x128xf32>
    %mul3A_32 = arith.mulf %get3A_3, %mul3A_31 : vector<50x128xf32>
    %dot_general3A_33 = arith.constant dense<0.000000e+00> : vector<50x50xf32>
    %dot_general3A_34 = tpu.matmul %mul3A_32, %get3A_3, %dot_general3A_33 {dimension_numbers = #tpu.dot_dimension_numbers<[1], [1], [0], [0], [0, 0, 1, 0], [], []>, transpose_lhs_hint = false} : vector<50x128xf32>, vector<50x128xf32>, vector<50x50xf32> -> vector<50x50xf32>
    %broadcast_in_dim3A_35 = arith.constant -9.000000e+15 : f32
    %broadcast_in_dim3A_36 = vector.broadcast %broadcast_in_dim3A_35 : f32 to vector<50x50xf32>
    %eq3A = arith.constant 1 : i32
    %eq3A_37 = vector.broadcast %eq3A : i32 to vector<50x50xi32>
    %eq3A_38 = arith.cmpi eq, %get3A_8, %eq3A_37 : vector<50x50xi32>
    %select_n3A = arith.select %eq3A_38, %dot_general3A_13, %broadcast_in_dim3A_36 : vector<50x50xi1>, vector<50x50xf32>
    %eq3A_39 = arith.constant 2 : i32
    %eq3A_40 = vector.broadcast %eq3A_39 : i32 to vector<50x50xi32>
    %eq3A_41 = arith.cmpi eq, %get3A_8, %eq3A_40 : vector<50x50xi32>
    %select_n3A_42 = arith.select %eq3A_41, %dot_general3A_20, %select_n3A : vector<50x50xi1>, vector<50x50xf32>
    %eq3A_43 = arith.constant 3 : i32
    %eq3A_44 = vector.broadcast %eq3A_43 : i32 to vector<50x50xi32>
    %eq3A_45 = arith.cmpi eq, %get3A_8, %eq3A_44 : vector<50x50xi32>
    %select_n3A_46 = arith.select %eq3A_45, %dot_general3A_27, %select_n3A_42 : vector<50x50xi1>, vector<50x50xf32>
    %eq3A_47 = arith.constant 4 : i32
    %eq3A_48 = vector.broadcast %eq3A_47 : i32 to vector<50x50xi32>
    %eq3A_49 = arith.cmpi eq, %get3A_8, %eq3A_48 : vector<50x50xi32>
    %select_n3A_50 = arith.select %eq3A_49, %dot_general3A_34, %select_n3A_46 : vector<50x50xi1>, vector<50x50xf32>
    %reduce_max3A = arith.constant dense<0xFF800000> : vector<50xf32>
    %reduce_max3A_51 = vector.multi_reduction <maximumf>, %select_n3A_50, %reduce_max3A [1] : vector<50x50xf32> to vector<50xf32>
    %broadcast_in_dim3A_52 = vector.shape_cast %reduce_max3A_51 : vector<50xf32> to vector<50x1xf32>
    %sub3A = vector.broadcast %broadcast_in_dim3A_52 : vector<50x1xf32> to vector<50x50xf32>
    %sub3A_53 = arith.subf %select_n3A_50, %sub3A : vector<50x50xf32>
    %exp3A = math.exp %sub3A_53 : vector<50x50xf32>
    %reduce_sum3A = arith.constant dense<0.000000e+00> : vector<50xf32>
    %reduce_sum3A_54 = vector.multi_reduction <add>, %exp3A, %reduce_sum3A [1] : vector<50x50xf32> to vector<50xf32>
    %broadcast_in_dim3A_55 = vector.shape_cast %reduce_sum3A_54 : vector<50xf32> to vector<50x1xf32>
    %div3A = vector.broadcast %broadcast_in_dim3A_55 : vector<50x1xf32> to vector<50x50xf32>
    %div3A_56 = arith.divf %exp3A, %div3A : vector<50x50xf32>
    %dot_general3A_57 = arith.constant dense<0.000000e+00> : vector<50x128xf32>
    %dot_general3A_58 = tpu.matmul %div3A_56, %get3A_3, %dot_general3A_57 {dimension_numbers = #tpu.dot_dimension_numbers<[1], [0], [0], [1], [0, 0, 1, 1], [], []>, transpose_lhs_hint = false} : vector<50x50xf32>, vector<50x128xf32>, vector<50x128xf32> -> vector<50x128xf32>
    %get3A_59 = arith.constant 0 : index
    %get3A_60 = arith.constant 0 : index
    %get3A_61 = arith.constant 0 : index
    %get3A_62 = vector.load %arg6[%get3A_59, %get3A_60, %get3A_61] : memref<1x1x50xf32, #tpu.memory_space<vmem>>, vector<1x1x50xf32>
    %get3A_63 = vector.shape_cast %get3A_62 : vector<1x1x50xf32> to vector<1x50xf32>
    %get3A_64 = arith.constant 0 : index
    %get3A_65 = arith.constant 0 : index
    %get3A_66 = arith.constant 0 : index
    %get3A_67 = vector.load %arg2[%get3A_64, %get3A_65, %get3A_66] : memref<1x50x128xf32, #tpu.memory_space<vmem>>, vector<1x50x128xf32>
    %get3A_68 = vector.shape_cast %get3A_67 : vector<1x50x128xf32> to vector<50x128xf32>
    %dot_general3A_69 = arith.constant dense<0.000000e+00> : vector<1x128xf32>
    %dot_general3A_70 = tpu.matmul %get3A_63, %get3A_68, %dot_general3A_69 {dimension_numbers = #tpu.dot_dimension_numbers<[1], [0], [0], [1], [0, 0, 1, 1], [], []>, transpose_lhs_hint = false} : vector<1x50xf32>, vector<50x128xf32>, vector<1x128xf32> -> vector<1x128xf32>
    %reduce_sum3A_71 = vector.shape_cast %get3A_63 : vector<1x50xf32> to vector<1x1x50xf32>
    %reduce_sum3A_72 = arith.constant dense<0.000000e+00> : vector<1xf32>
    %reduce_sum3A_73 = vector.multi_reduction <add>, %reduce_sum3A_71, %reduce_sum3A_72 [1, 2] : vector<1x1x50xf32> to vector<1xf32>
    %reduce_sum3A_74 = vector.shape_cast %reduce_sum3A_73 : vector<1xf32> to vector<1x1x1xf32>
    %reduce_sum3A_75 = vector.extract %reduce_sum3A_74[0, 0, 0] : f32 from vector<1x1x1xf32>
    %div3A_76 = vector.broadcast %reduce_sum3A_75 : f32 to vector<1x128xf32>
    %div3A_77 = arith.divf %dot_general3A_70, %div3A_76 : vector<1x128xf32>
    %get3A_78 = arith.constant 0 : index
    %get3A_79 = arith.constant 0 : index
    %get3A_80 = vector.load %arg3[%get3A_78, %get3A_79] : memref<600x128xf32, #tpu.memory_space<vmem>>, vector<600x128xf32>
    %mul3A_81 = vector.broadcast %div3A_77 : vector<1x128xf32> to vector<600x128xf32>
    %mul3A_82 = arith.mulf %get3A_80, %mul3A_81 : vector<600x128xf32>
    %get3A_83 = arith.constant 0 : index
    %get3A_84 = arith.constant 0 : index
    %get3A_85 = vector.load %arg8[%get3A_83, %get3A_84] : memref<128x128xf32, #tpu.memory_space<vmem>>, vector<128x128xf32>
    %dot_general3A_86 = arith.constant dense<0.000000e+00> : vector<600x128xf32>
    %dot_general3A_87 = tpu.matmul %mul3A_82, %get3A_85, %dot_general3A_86 {dimension_numbers = #tpu.dot_dimension_numbers<[1], [0], [0], [1], [0, 0, 1, 1], [], []>, transpose_lhs_hint = false} : vector<600x128xf32>, vector<128x128xf32>, vector<600x128xf32> -> vector<600x128xf32>
    %reshape3A = vector.shape_cast %dot_general3A_87 : vector<600x128xf32> to vector<50x12x128xf32>
    %get3A_88 = arith.constant 0 : index
    %get3A_89 = arith.constant 0 : index
    %get3A_90 = arith.constant 0 : index
    %get3A_91 = vector.load %arg4[%get3A_88, %get3A_89, %get3A_90] : memref<1x50x12xf32, #tpu.memory_space<vmem>>, vector<1x50x12xf32>
    %get3A_92 = vector.shape_cast %get3A_91 : vector<1x50x12xf32> to vector<50x12xf32>
    %broadcast_in_dim3A_93 = vector.shape_cast %get3A_92 : vector<50x12xf32> to vector<50x12x1xf32>
    %get3A_94 = arith.constant 0 : index
    %get3A_95 = arith.constant 0 : index
    %get3A_96 = vector.load %arg9[%get3A_94, %get3A_95] : memref<1x128xf32, #tpu.memory_space<vmem>>, vector<1x128xf32>
    %broadcast_in_dim3A_97 = vector.shape_cast %get3A_96 : vector<1x128xf32> to vector<1x1x128xf32>
    %mul3A_98 = vector.broadcast %broadcast_in_dim3A_93 : vector<50x12x1xf32> to vector<50x12x128xf32>
    %mul3A_99 = vector.broadcast %broadcast_in_dim3A_97 : vector<1x1x128xf32> to vector<50x12x128xf32>
    %mul3A_100 = arith.mulf %mul3A_98, %mul3A_99 : vector<50x12x128xf32>
    %add3A = arith.addf %reshape3A, %mul3A_100 : vector<50x12x128xf32>
    %ge3A = arith.constant 0.000000e+00 : f32
    %ge3A_101 = vector.broadcast %ge3A : f32 to vector<50x12x128xf32>
    %ge3A_102 = arith.cmpf oge, %add3A, %ge3A_101 : vector<50x12x128xf32>
    %mul3A_103 = arith.constant 2.000000e-01 : f32
    %mul3A_104 = vector.broadcast %mul3A_103 : f32 to vector<50x12x128xf32>
    %mul3A_105 = arith.mulf %mul3A_104, %add3A : vector<50x12x128xf32>
    %select_n3A_106 = arith.select %ge3A_102, %add3A, %mul3A_105 : vector<50x12x128xi1>, vector<50x12x128xf32>
    %get3A_107 = arith.constant 0 : index
    %get3A_108 = arith.constant 0 : index
    %get3A_109 = vector.load %arg10[%get3A_107, %get3A_108] : memref<1x128xf32, #tpu.memory_space<vmem>>, vector<1x128xf32>
    %broadcast_in_dim3A_110 = vector.shape_cast %get3A_109 : vector<1x128xf32> to vector<1x1x128xf32>
    %mul3A_111 = vector.broadcast %broadcast_in_dim3A_110 : vector<1x1x128xf32> to vector<50x12x128xf32>
    %mul3A_112 = arith.mulf %select_n3A_106, %mul3A_111 : vector<50x12x128xf32>
    %reduce_sum3A_113 = arith.constant dense<0.000000e+00> : vector<50x12xf32>
    %reduce_sum3A_114 = vector.multi_reduction <add>, %mul3A_112, %reduce_sum3A_113 [2] : vector<50x12x128xf32> to vector<50x12xf32>
    %reduce_max3A_115 = arith.constant dense<0xFF800000> : vector<50xf32>
    %reduce_max3A_116 = vector.multi_reduction <maximumf>, %reduce_sum3A_114, %reduce_max3A_115 [1] : vector<50x12xf32> to vector<50xf32>
    %broadcast_in_dim3A_117 = vector.shape_cast %reduce_max3A_116 : vector<50xf32> to vector<50x1xf32>
    %sub3A_118 = vector.broadcast %broadcast_in_dim3A_117 : vector<50x1xf32> to vector<50x12xf32>
    %sub3A_119 = arith.subf %reduce_sum3A_114, %sub3A_118 : vector<50x12xf32>
    %exp3A_120 = math.exp %sub3A_119 : vector<50x12xf32>
    %reduce_sum3A_121 = arith.constant dense<0.000000e+00> : vector<50xf32>
    %reduce_sum3A_122 = vector.multi_reduction <add>, %exp3A_120, %reduce_sum3A_121 [1] : vector<50x12xf32> to vector<50xf32>
    %broadcast_in_dim3A_123 = vector.shape_cast %reduce_sum3A_122 : vector<50xf32> to vector<50x1xf32>
    %div3A_124 = vector.broadcast %broadcast_in_dim3A_123 : vector<50x1xf32> to vector<50x12xf32>
    %div3A_125 = arith.divf %exp3A_120, %div3A_124 : vector<50x12xf32>
    %reshape3A_126 = vector.shape_cast %get3A_80 : vector<600x128xf32> to vector<50x12x128xf32>
    %broadcast_in_dim3A_127 = vector.shape_cast %div3A_125 : vector<50x12xf32> to vector<50x12x1xf32>
    %mul3A_128 = vector.broadcast %broadcast_in_dim3A_127 : vector<50x12x1xf32> to vector<50x12x128xf32>
    %mul3A_129 = arith.mulf %mul3A_128, %reshape3A_126 : vector<50x12x128xf32>
    %reduce_sum3A_130 = arith.constant dense<0.000000e+00> : vector<50x128xf32>
    %reduce_sum3A_131 = vector.multi_reduction <add>, %mul3A_129, %reduce_sum3A_130 [1] : vector<50x12x128xf32> to vector<50x128xf32>
    %get3A_132 = arith.constant 0 : index
    %get3A_133 = arith.constant 0 : index
    %get3A_134 = vector.load %arg11[%get3A_132, %get3A_133] : memref<128x128xf32, #tpu.memory_space<vmem>>, vector<128x128xf32>
    %dot_general3A_135 = arith.constant dense<0.000000e+00> : vector<50x128xf32>
    %dot_general3A_136 = tpu.matmul %get3A_3, %get3A_134, %dot_general3A_135 {dimension_numbers = #tpu.dot_dimension_numbers<[1], [0], [0], [1], [0, 0, 1, 1], [], []>, transpose_lhs_hint = false} : vector<50x128xf32>, vector<128x128xf32>, vector<50x128xf32> -> vector<50x128xf32>
    %get3A_137 = arith.constant 0 : index
    %get3A_138 = arith.constant 0 : index
    %get3A_139 = vector.load %arg12[%get3A_137, %get3A_138] : memref<128x128xf32, #tpu.memory_space<vmem>>, vector<128x128xf32>
    %dot_general3A_140 = arith.constant dense<0.000000e+00> : vector<50x128xf32>
    %dot_general3A_141 = tpu.matmul %reduce_sum3A_131, %get3A_139, %dot_general3A_140 {dimension_numbers = #tpu.dot_dimension_numbers<[1], [0], [0], [1], [0, 0, 1, 1], [], []>, transpose_lhs_hint = false} : vector<50x128xf32>, vector<128x128xf32>, vector<50x128xf32> -> vector<50x128xf32>
    %add3A_142 = arith.addf %dot_general3A_136, %dot_general3A_141 : vector<50x128xf32>
    %max3A = arith.constant 0.000000e+00 : f32
    %max3A_143 = vector.broadcast %max3A : f32 to vector<50x128xf32>
    %max3A_144 = arith.maximumf %add3A_142, %max3A_143 : vector<50x128xf32>
    %add3A_145 = arith.addf %max3A_144, %dot_general3A_58 : vector<50x128xf32>
    %swap3A = arith.constant 0 : index
    %swap3A_146 = arith.constant 0 : index
    %swap3A_147 = arith.constant 0 : index
    %swap3A_148 = vector.load %arg13[%swap3A, %swap3A_146, %swap3A_147] : memref<1x50x128xf32, #tpu.memory_space<vmem>>, vector<1x50x128xf32>
    %swap3A_149 = vector.shape_cast %swap3A_148 : vector<1x50x128xf32> to vector<50x128xf32>
    %swap3A_150 = vector.shape_cast %add3A_145 : vector<50x128xf32> to vector<1x50x128xf32>
    tpu.vector_store %arg13[%swap3A, %swap3A_146, %swap3A_147], %swap3A_150 {strides = array<i32>} : memref<1x50x128xf32, #tpu.memory_space<vmem>>, vector<1x50x128xf32>,
    return
  }
  func.func @transform_0(%arg0: i32) -> (i32, i32, i32) {
    %c0_i32 = arith.constant 0 : i32
    %c0_i32_0 = arith.constant 0 : i32
    %c0_i32_1 = arith.constant 0 : i32
    return %arg0, %c0_i32, %c0_i32_0 : i32, i32, i32
  }
  func.func @transform_1(%arg0: i32) -> (i32, i32, i32) {
    %c0_i32 = arith.constant 0 : i32
    %c0_i32_0 = arith.constant 0 : i32
    %c0_i32_1 = arith.constant 0 : i32
    return %arg0, %c0_i32, %c0_i32_0 : i32, i32, i32
  }
  func.func @transform_2(%arg0: i32) -> (i32, i32) {
    %c0_i32 = arith.constant 0 : i32
    %c0_i32_0 = arith.constant 0 : i32
    return %arg0, %c0_i32 : i32, i32
  }
  func.func @transform_3(%arg0: i32) -> (i32, i32, i32) {
    %c0_i32 = arith.constant 0 : i32
    %c0_i32_0 = arith.constant 0 : i32
    %c0_i32_1 = arith.constant 0 : i32
    return %arg0, %c0_i32, %c0_i32_0 : i32, i32, i32
  }
  func.func @transform_4(%arg0: i32) -> (i32, i32, i32) {
    %c0_i32 = arith.constant 0 : i32
    %c0_i32_0 = arith.constant 0 : i32
    %c0_i32_1 = arith.constant 0 : i32
    return %arg0, %c0_i32, %c0_i32_0 : i32, i32, i32
  }
  func.func @transform_5(%arg0: i32) -> (i32, i32, i32) {
    %c0_i32 = arith.constant 0 : i32
    %c0_i32_0 = arith.constant 0 : i32
    %c0_i32_1 = arith.constant 0 : i32
    return %arg0, %c0_i32, %c0_i32_0 : i32, i32, i32
  }
  func.func @transform_6(%arg0: i32) -> (i32, i32) {
    %c0_i32 = arith.constant 0 : i32
    %c0_i32_0 = arith.constant 0 : i32
    %c0_i32_1 = arith.constant 0 : i32
    return %c0_i32, %c0_i32_0 : i32, i32
  }
  func.func @transform_7(%arg0: i32) -> (i32, i32) {
    %c0_i32 = arith.constant 0 : i32
    %c0_i32_0 = arith.constant 0 : i32
    %c0_i32_1 = arith.constant 0 : i32
    return %c0_i32, %c0_i32_0 : i32, i32
  }
  func.func @transform_8(%arg0: i32) -> (i32, i32) {
    %c0_i32 = arith.constant 0 : i32
    %c0_i32_0 = arith.constant 0 : i32
    %c0_i32_1 = arith.constant 0 : i32
    return %c0_i32, %c0_i32_0 : i32, i32
  }
  func.func @transform_9(%arg0: i32) -> (i32, i32) {
    %c0_i32 = arith.constant 0 : i32
    %c0_i32_0 = arith.constant 0 : i32
    %c0_i32_1 = arith.constant 0 : i32
    return %c0_i32, %c0_i32_0 : i32, i32
  }
  func.func @transform_10(%arg0: i32) -> (i32, i32) {
    %c0_i32 = arith.constant 0 : i32
    %c0_i32_0 = arith.constant 0 : i32
    %c0_i32_1 = arith.constant 0 : i32
    return %c0_i32, %c0_i32_0 : i32, i32
  }
  func.func @transform_11(%arg0: i32) -> (i32, i32) {
    %c0_i32 = arith.constant 0 : i32
    %c0_i32_0 = arith.constant 0 : i32
    %c0_i32_1 = arith.constant 0 : i32
    return %c0_i32, %c0_i32_0 : i32, i32
  }
  func.func @transform_12(%arg0: i32) -> (i32, i32, i32) {
    %c0_i32 = arith.constant 0 : i32
    %c0_i32_0 = arith.constant 0 : i32
    %c0_i32_1 = arith.constant 0 : i32
    return %arg0, %c0_i32, %c0_i32_0 : i32, i32, i32
  }
}

</mosaic_0001>

<sc_bundles>
// kernel: kernel.4.cloned.1.call-start
scs
__scs_entry_jumppad:
0x0: {  	(pc) =	sbr.rel $0x88, $3  }
0x1: {  	(tag) =	ssettag $0x0;
	lr =	simm.s32 $0x1  }
0x2: {  	[smem:$0x3F93] =	sst lr;
	_ =	strace $0xD0000000  }
0x3: {  	_ = 	snop  }
0x4: {  	_ = 	snop  }
0x5: {  	_ = 	snop  }
0x6: {  	_ = 	snop  }
0x7: {  	_ = 	snop  }
__scs_overlays_trampoline_lowered:
0x8: {  	[smem:$0x3FA2] =	sst s0  }
0x9: {  	[smem:$0x3FA3] =	sst s1  }
0xa: {  	[smem:$0x3FA4] =	sst s2  }
0xb: {  	[smem:$0x3FA5] =	sst s3  }
0xc: {  	[smem:$0x3FA6] =	sst s4  }
0xd: {  	[smem:$0x3FA7] =	sst s5  }
0xe: {  	[smem:$0x3FA8] =	sst s6  }
0xf: {  	[smem:$0x3FA9] =	sst s7  }
0x10: {  	[smem:$0x3FAA] =	sst s8  }
0x11: {  	[smem:$0x3FAB] =	sst s9;
	s0 =	simm.s32 @!p0 $0x0  }
0x12: {  	s1 =	sld [smem:$0x3F91];
	s0 =	simm.s32 @p0 $0x1  }
0x13: {  	[smem:$0x3FAC] =	sst s0;
	s0 =	simm.s32 @!p1 $0x0  }
0x14: {  	s2 =	sld [smem:$0x3F90];
	s0 =	simm.s32 @p1 $0x1  }
0x15: {  	[smem:$0x3FAD] =	sst s0;
	s0 =	simm.s32 @!p2 $0x0  }
0x16: {  	s3 =	sld [smem:$0x3FDB];
	s0 =	simm.s32 @p2 $0x1  }
0x17: {  	s4 =	simm.s32 $0x1BF5;
	[smem:$0x3FAF] =	sst s0  }
0x18: {  	s0 =	sld [smem:$0x3F92];
	_ =	swait.ge [sflag:s4], $0x0  }
0x19: {  	s7 =	sld [smem:$0x3F93]  }
0x1a: {  	s8 =	sadd.s32 $0xFFFFE003, lr  }
0x1b: {  	s9 =	sadd.s32 $0xFFFFFEF7, lr;
	s5 =	simm.s32 $0xFFFFFFFF;
	p2 =	slt.u32 s8, $0xFFFFF086  }
0x1c: {  	p1 =	slt.u32 s9, $0xF7A;
	s5 =	simm.s32 @!p2 $0x0  }
0x1d: {  	s5 =	simm.s32 @p1 $0x1;
	p0 =	seq.s32 s7, s2  }
0x1e: {  	s7 =	smul.u32 @!p0 $0xF7A, s2;
	p2 =	seq.s32 @!p0 s5, $0x0  }
0x1f: {  	s9 =	smul.u32 $0xF7A, s1;
	s8 =	simm.s32 @!p0 $0x1BF5;
	p2 =	por !p2, p0  }
0x20: {  	[sflag:s8] =	ssyncset.s32 @!p0 $0xFFFFF086;
	s6 =	sadd.s32 @!p0 s3, s7;
	s7 =	simm.s32 @!p0 $0x108  }
0x21: {  	s3 =	sadd.s32 s3, s9;
	s6 =	sadd.s32 @!p0 $0x88, s6;
	s7 =	simm.s32 @p2 $0x1082  }
0x22: {  	[simem:s7], [sflag:s8] =	dma.local @!p0 [hbm:s6], $0xF7A  }
0x23: {  	s9 =	sor.u32 $0xD0000000, s2;
	s6 =	simm.s32 $0x108;
	_ =	swait.ge @!p0 [sflag:s8], $0x0  }
0x24: {  	s3 =	sadd.s32 $0x88, s3;
	s6 =	simm.s32 @!p1 $0x1082;
	[sflag:s4] =	ssyncset.s32 $0xFFFFF086  }
0x25: {  	[simem:s6], [sflag:s4] =	dma.local [hbm:s3], $0xF7A  }
0x26: {  	[smem:$0x3F93] =	sst s1;
	(tag) =	ssettag s2;
	_ =	strace s9  }
0x27: {  	s1 =	sld [smem:$0x3FA3]  }
0x28: {  	s2 =	sld [smem:$0x3FA4]  }
0x29: {  	s4 =	sld [smem:$0x3FA6]  }
0x2a: {  	p0 =	seq.s32 s5, $0x0;
	s5 =	sld [smem:$0x3FA7]  }
0x2b: {  	s6 =	sld [smem:$0x3FA8]  }
0x2c: {  	s7 =	sld [smem:$0x3FA9]  }
0x2d: {  	s3 =	simm.s32 $0x108;
	s8 =	sld [smem:$0x3FAA]  }
0x2e: {  	s3 =	simm.s32 @!p0 $0x1082;
	s9 =	sld [smem:$0x3FAB]  }
0x2f: {  	lr =	sadd.s32 s0, s3;
	s0 =	sld [smem:$0x3FA2]  }
0x30: {  	s3 =	sld [smem:$0x3FA5]  }
0x31: {  	[smem:$0x3FAE] =	sst s10  }
0x32: {  	s10 =	sld [smem:$0x3FAC];
	_ =	sdelay $0x3  }
0x33: {  	p0 =	seq.s32 s10, $0x1;
	s10 =	sld [smem:$0x3FAE];
	_ =	sdelay $0x3  }
0x34: {  	[smem:$0x3FAE] =	sst s10  }
0x35: {  	s10 =	sld [smem:$0x3FAD];
	_ =	sdelay $0x3  }
0x36: {  	p1 =	seq.s32 s10, $0x1;
	s10 =	sld [smem:$0x3FAE];
	_ =	sdelay $0x3  }
0x37: {  	[smem:$0x3FAE] =	sst s10  }
0x38: {  	s10 =	sld [smem:$0x3FAF]  }
0x39: {  	_ = 	snop;
	(pc) =	sbr.ind lr, $3  }
0x3a: {  	_ = 	snop  }
0x3b: {  	_ = 	snop  }
0x3c: {  	p2 =	seq.s32 s10, $0x1;
	s10 =	sld [smem:$0x3FAE]  }
0x3d: {  	_ =	shalt  }
0x3e: {  	_ =	shalt  }
0x3f: {  	_ =	shalt  }
0x40: {  	_ =	shalt  }
0x41: {  	_ =	shalt  }
0x42: {  	_ =	shalt  }
0x43: {  	_ =	shalt  }
0x44: {  	_ =	shalt  }
0x45: {  	_ =	shalt  }
0x46: {  	_ =	shalt  }
0x47: {  	_ =	shalt  }
0x48: {  	_ =	shalt  }
0x49: {  	_ =	shalt  }
0x4a: {  	_ =	shalt  }
0x4b: {  	_ =	shalt  }
0x4c: {  	_ =	shalt  }
0x4d: {  	_ =	shalt  }
0x4e: {  	_ =	shalt  }
0x4f: {  	_ =	shalt  }
0x50: {  	_ =	shalt  }
0x51: {  	_ =	shalt  }
0x52: {  	_ =	shalt  }
0x53: {  	_ =	shalt  }
0x54: {  	_ =	shalt  }
0x55: {  	_ =	shalt  }
0x56: {  	_ =	shalt  }
0x57: {  	_ =	shalt  }
0x58: {  	_ =	shalt  }
0x59: {  	_ =	shalt  }
0x5a: {  	_ =	shalt  }
0x5b: {  	_ =	shalt  }
0x5c: {  	_ =	shalt  }
0x5d: {  	_ =	shalt  }
0x5e: {  	_ =	shalt  }
0x5f: {  	_ =	shalt  }
0x60: {  	_ =	shalt  }
0x61: {  	_ =	shalt  }
0x62: {  	_ =	shalt  }
0x63: {  	_ =	shalt  }
0x64: {  	_ =	shalt  }
0x65: {  	_ =	shalt  }
0x66: {  	_ =	shalt  }
0x67: {  	_ =	shalt  }
0x68: {  	_ =	shalt  }
0x69: {  	_ =	shalt  }
0x6a: {  	_ =	shalt  }
0x6b: {  	_ =	shalt  }
0x6c: {  	_ =	shalt  }
0x6d: {  	_ =	shalt  }
0x6e: {  	_ =	shalt  }
0x6f: {  	_ =	shalt  }
0x70: {  	_ =	shalt  }
0x71: {  	_ =	shalt  }
0x72: {  	_ =	shalt  }
0x73: {  	_ =	shalt  }
0x74: {  	_ =	shalt  }
0x75: {  	_ =	shalt  }
0x76: {  	_ =	shalt  }
0x77: {  	_ =	shalt  }
0x78: {  	_ =	shalt  }
0x79: {  	_ =	shalt  }
0x7a: {  	_ =	shalt  }
0x7b: {  	_ =	shalt  }
0x7c: {  	_ =	shalt  }
0x7d: {  	_ =	shalt  }
0x7e: {  	_ =	shalt  }
0x7f: {  	_ =	shalt  }
0x80: {  	_ =	shalt  }
0x81: {  	_ =	shalt  }
0x82: {  	_ =	shalt  }
0x83: {  	_ =	shalt  }
0x84: {  	_ =	shalt  }
0x85: {  	_ =	shalt  }
0x86: {  	_ =	shalt  }
0x87: {  	_ =	shalt  }
.Lfunc_end0:
.L_simem_size_0:
called_computation_lowered:
.L_overlay_start_0:
0x88: {  	s2 =	sld [smem:$0x3FD9]  }
0x89: {  	s3 =	sld [smem:$0x3FFE];
	_ =	sdelay $0x1  }
0x8a: {  	s1 =	srdreg.scid  }
0x8b: {  	s0 =	sand.u32 $0x1, s1  }
0x8c: {  	s17 =	sshll.u32 s0, $0xA;
	s2 =	sadd.s32 s3, s2  }
0x8d: {  	s2 =	sadd.s32 s2, s17  }
0x8e: {  	[smem:$0x3FBA] =	sst s2  }
0x8f: {  	_ = 	snop  }
0x90: {  	s2 =	sld [smem:$0x3FC3]  }
0x91: {  	s18 =	sld [smem:$0x3FD0];
	(tm) =	ssettm $0x1  }
0x92: {  	s4 =	sld [smem:$0x3FFB];
	_ =	sdelay $0x3  }
0x93: {  	_ =	strace s4  }
0x94: {  	s4 =	sld [smem:$0x3FFC];
	_ =	sdelay $0x3  }
0x95: {  	_ =	strace s4  }
0x96: {  	s4 =	sld [smem:$0x3FFD];
	_ =	sdelay $0x3  }
0x97: {  	_ =	strace s4  }
0x98: {  	_ =	strace $0x8FFFFFFF  }
0x99: {  	s19 =	sld [smem:$0x3FDB];
	_ =	sdelay $0x1  }
0x9a: {  	s5 =	simm.s32 $_scs_section_size  }
0x9b: {  	s6 =	simm.s32 $_size__tile_overlayer_lowered;
	s7 =	simm.s32 $_tile_overlayer_lowered  }
0x9c: {  	s22 =	simm.s32 $0x1BFF;
	s21 =	sshll.u32 s7, $0x1;
	s4 =	sadd.s32 s5, s19  }
0x9d: {  	s8 =	simm.s32 $0x0;
	s20 =	sshll.u32 s6, $0x1;
	s6 =	sadd.s32 s21, s4  }
0x9e: {  	[timem:s8], [sflag:s22] =	dma.local [hbm:s6], s20  }
0x9f: {  	_ =	swait.ge [sflag:s22], s20  }
0xa0: {  	s5 =	ssub.s32 $0x0, s20;
	[sflag:s22] =	ssyncset.done $0x0  }
0xa1: {  	[sflag:s22] =	ssyncadd.s32 s5;
	_ =	sdelay $0x1  }
0xa2: {  	s23 =	simm.s32 $0x1B8B  }
0xa3: {  	_ =	swait.ge [sflag:s23], $0x1  }
0xa4: {  	[sflag:s23] =	ssyncset.done $0x0  }
0xa5: {  	s25 =	simm.s32 $0x1B8E;
	s24 =	sld [smem:$0x3FFE];
	[sflag:s23] =	ssyncadd.s32 $0xFFFFFFFF  }
0xa6: {  	s26 =	simm.s32 $execute0_lowered;
	[smem:$0x3FD2] =	sst s25  }
0xa7: {  	s6 =	sshll.u32 s26, $0x1;
	_ =	strace $0x80000046;
	[dreg:$0x1] =	wrdreg $0xFFFFFFFF  }
0xa8: {  	s28 =	simm.s32 $_size_execute0_lowered;
	s4 =	sadd.s32 s4, s6;
	[dreg:$0x0] =	wrdreg $0x0  }
0xa9: {  	s6 =	sshll.u32 s28, $0x1;
	[dreg:$0x2] =	wrdreg s4  }
0xaa: {  	[dreg:$0x3] =	wrdreg s6  }
0xab: {  	[dreg:$0x4] =	wrdreg $0xC0  }
0xac: {  	_ =	task [dreg:s8], $0x5FFFF  }
0xad: {  	[dreg:$0x1] =	wrdreg $0xFFFFFFFF  }
0xae: {  	[dreg:$0x0] =	wrdreg $0x60  }
0xaf: {  	[dreg:$0x2] =	wrdreg s2  }
0xb0: {  	[dreg:$0x3] =	wrdreg s24  }
0xb1: {  	[dreg:$0x4] =	wrdreg s18  }
0xb2: {  	[dreg:$0x5] =	wrdreg $0x9  }
0xb3: {  	_ =	task.clear_ibuf [dreg:s8], $0x6FFFF;
	_ =	strace $0x90000046  }
0xb4: {  	s29 =	simm.s32 $0x9;
	_ =	strace $0x80000048  }
0xb5: {  	_ =	swait.ge [sflag:s29], $0x1  }
0xb6: {  	[sflag:s29] =	ssyncadd.s32 $0xFFFFFFFF  }
0xb7: {  	_ =	strace $0x90000048  }
0xb8: {  	_ =	sfence  }
0xb9: {  	s30 =	sld [smem:$0x0];
	_ =	sdelay $0x2  }
0xba: {  	s31 =	sshll.u32 s1, $0xD;
	s1 =	sshrl.u32 s1, $0x2  }
0xbb: {  	s3 =	sand.u32 $0x4000, s31;
	s1 =	sadd.s32 s1, s30  }
0xbc: {  	s0 =	sor.u32 s3, s0;
	s1 =	sshll.u32 s1, $0x11  }
0xbd: {  	s0 =	sor.u32 s1, s0  }
0xbe: {  	s0 =	sadd.s32 $0x8F2B, s0  }
0xbf: {  	[sflag:s0] =	ssyncadd.remote.s32 $0x1  }
0xc0: {  	_ =	sfence.sel $0xFFFF  }
0xc1: {  	[dreg:$0x0] =	wrdreg $0xFFFFFFFF;
	(pc) =	sbr.abs _section_cstart, $3  }
0xc2: {  	[dreg:$0x1] =	wrdreg $0xFFFFFFFF  }
0xc3: {  	_ =	task.clear_ibuf [dreg:s8], $0x2FFFF;
	_ =	strace $0x9FFFFFFF  }
0xc4: {  	(tm) =	ssettm $0x7FFFFFFF  }
0xc5: {  	_ =	shalt  }
tec
execute0_lowered:
.L_overlay_start_1:
0x0: {  	(tag) =	ssettag $0x1  }
0x1: {  	s3 =	rddreg [dreg:$0x0]  }
0x2: {  	s0 =	rddreg [dreg:$0x1]  }
0x3: {  	s1 =	rddreg [dreg:$0x2];
	s2 =	srdreg.scid  }
0x4: {  	s17 =	stileid.u32;
	s28 =	simm.s32 $0x200;
	s31 =	simm.s32 $0x1  }
0x5: {  	s29 =	simm.s32 $0x780;
	s30 =	simm.s32 $0xC8;
	s22 =	simm.s32 $0xC50  }
0x6: {  	p0 =	por $0x0, $0x0;
	s23 =	sand.u32 $0x1, s2;
	s4 =	sshll.u32 s17, $0x1  }
0x7: {  	[dreg:$0x4] =	wrdreg s1;
	s2 =	simm.s32 $0x0;
	s4 =	sor.u32 s23, s4  }
0x8: {  	s6 =	sadd.s32 $0x4800, s0;
	s8 =	sadd.s32 $0x4B000, s0;
	s5 =	smul.u32 $0x19, s4  }
0x9: {  	[smem:$0x7FF] =	sst s2;
	s1 =	ssub.s32 $0x2, s23;
	s7 =	smul.u32 $0xC80, s4  }
0xa: {  	s23 =	simm.s32 $0x980;
	_ =	strace $0x80000047;
	s24 =	smul.u32 $0xF0, s4  }
0xb: {  	[dreg:$0x5] =	wrdreg s6;
	s26 =	smul.u32 $0x3C000, s4;
	s19 =	sshrl.u32 s1, $0x1  }
0xc: {  	s4 =	smul.u32 $0x7800, s4;
	s1 =	ssub.s32 s1, s19;
	s19 =	simm.s32 $0xF20  }
0xd: {  	s5 =	sadd.s32 s5, s0;
	s7 =	sadd.s32 s7, s0;
	s0 =	sadd.s32 s24, s0  }
0xe: {  	s6 =	sshrl.u32 s26, $0x3;
	s4 =	sadd.s32 s8, s4;
	s21 =	smax.u32 s1, $0x1  }
0xf: {  	s26 =	simm.s32 $0x2;
	s9 =	sadd.s32 $0x2600, s5;
	[dreg:$0xb] =	wrdreg s4  }
0x10: {  	s24 =	simm.s32 $0xB60;
	s5 =	sadd.s32 $0x16E00, s5;
	[dreg:$0x6] =	wrdreg s9  }
0x11: {  	s25 =	sadd.s32 $0x2A00, s0;
	s10 =	sadd.s32 $0x30200, s7;
	[dreg:$0x7] =	wrdreg s5  }
0x12: {  	s11 =	sadd.s32 s8, s6;
	s0 =	sadd.s32 $0x49200, s0;
	[dreg:$0x8] =	wrdreg s25  }
0x13: {  	s4 =	simm.s32 $0x1100;
	s6 =	simm.s32 $0x1880;
	[dreg:$0xa] =	wrdreg s10  }
0x14: {  	p1 =	sne.s32 s21, $0x1;
	s9 =	sadd.s32 $0x17200, s7;
	[dreg:$0x13] =	wrdreg s0  }
0x15: {  	s1 =	sadd.s32 $0xFFFFFFFF, s21;
	s12 =	sadd.s32 $0xF00, s11;
	[dreg:$0x9] =	wrdreg s9  }
0x16: {  	s21 =	simm.s32 $0xD40;
	s13 =	sadd.s32 $0x1E00, s11;
	[dreg:$0xc] =	wrdreg s12  }
0x17: {  	s8 =	simm.s32 $0xA;
	s14 =	sadd.s32 $0x2D00, s11;
	[dreg:$0xd] =	wrdreg s13  }
0x18: {  	s15 =	sadd.s32 $0x3C00, s11;
	s16 =	sadd.s32 $0x4B00, s11;
	[dreg:$0xe] =	wrdreg s14  }
0x19: {  	s18 =	sadd.s32 $0x5A00, s11;
	s20 =	sadd.s32 $0x6900, s11;
	[dreg:$0xf] =	wrdreg s15  }
0x1a: {  	s25 =	simm.s32 $0x100;
	s7 =	simm.s32 $0x4;
	[dreg:$0x10] =	wrdreg s16  }
.Ltmp0:
0x1b: {  	s5 =	simm.s32 $0x7;
	[dreg:$0x11] =	wrdreg s18;
	(pc) =	sbr.rel @!p1 .LBB2_1-.Ltmp0, $4  }
0x1c: {  	s10 =	simm.s32 $0x8;
	s11 =	simm.s32 $0x3;
	[dreg:$0x12] =	wrdreg s20  }
0x1d: {  	s14 =	simm.s32 $0x9080;
	s13 =	simm.s32 $0xF0;
	s12 =	simm.s32 $0x10880  }
0x1e: {  	s16 =	simm.s32 $0x5;
	s15 =	simm.s32 $0x6;
	s9 =	simm.s32 $0x9  }
0x1f: {  	s20 =	simm.s32 $0xE30;
	s18 =	simm.s32 $0x1010;
	s0 =	rddreg [dreg:$0x6]  }
0x20: {  	[tilespmem:s2], [sflag:$0x1] =	stream.linear.gather [hbm4b:s0+s2], $0xC8, $0x38;
	[tilespmem:$0x18080] =	vst v63  }
0x21: {  	s17 =	smov.u32 s1;
	s1 =	rddreg [dreg:$0x7]  }
0x22: {  	[tilespmem:s25], [sflag:$0x1] =	stream.linear.gather [hbm4b:s1+s2], $0xC8, $0x38;
	[tilespmem:$0x18080] =	vst v63  }
0x23: {  	s0 =	rddreg [dreg:$0x8]  }
0x24: {  	[tilespmem:s28], [sflag:$0x1] =	stream.linear.gather [hbm4b:s0+s2], $0x780, $0x38;
	[tilespmem:$0x18080] =	vst v63  }
0x25: {  	_ =	swait.ge [sflag:s31], $0xC8  }
0x26: {  	[sflag:s31] =	ssyncset.done $0x0  }
0x27: {  	[sflag:s31] =	ssyncadd.s32 $0xFFFFFF38  }
0x28: {  	_ =	swait.ge [sflag:s31], $0xC8  }
0x29: {  	[sflag:s31] =	ssyncset.done $0x0  }
0x2a: {  	[sflag:s31] =	ssyncadd.s32 $0xFFFFFF38  }
0x2b: {  	_ =	swait.ge [sflag:s31], $0x780  }
0x2c: {  	[sflag:s31] =	ssyncset.done $0x0  }
0x2d: {  	s0 =	rddreg [dreg:$0x4];
	[sflag:s31] =	ssyncadd.s32 $0xFFFFF880  }
0x2e: {  	[tilespmem:s23], [sflag:$0x2] =	stream.indirect.gather [hbm4b:s0+s29], $0x1, s28, s29, $0xb8;
	[tilespmem:$0x18080] =	vst v63  }
0x2f: {  	s1 =	rddreg [dreg:$0x5]  }
0x30: {  	[tilespmem:s4], [sflag:$0x3] =	stream.indirect.gather [hbm4b:s1+s29], $0x1, s28, s29, $0xb8;
	[tilespmem:$0x18080] =	vst v63  }
0x31: {  	_ = 	snop  }
0x32: {  	[tilespmem:s6], [sflag:$0x4] =	stream.indirect.gather [hbm4b:s3+s30], $0x80, s2, s30, $0xb8;
	[tilespmem:$0x18080] =	vst v63  }
0x33: {  	_ = 	snop  }
0x34: {  	[tilespmem:s14], [sflag:$0x5] =	stream.indirect.gather [hbm4b:s3+s30], $0x80, s25, s30, $0xb8;
	[tilespmem:$0x18080] =	vst v63  }
0x35: {  	_ =	swait.ge [sflag:s7], $0x6400  }
0x36: {  	[sflag:s7] =	ssyncset.done $0x0  }
0x37: {  	s1 =	rddreg [dreg:$0x9];
	[sflag:s7] =	ssyncadd.s32 $0xFFFF9C00  }
0x38: {  	[hbm4b:s1+s2] =	stream.linear.scatter [tilespmem:s6], [sflag:$0x7], $0x6400, $0x38;
	[tilespmem:$0x18080] =	vst v63  }
0x39: {  	_ =	swait.ge [sflag:s26], $0x780  }
0x3a: {  	[sflag:s26] =	ssyncset.done $0x0  }
0x3b: {  	[sflag:s26] =	ssyncadd.s32 $0xFFFFF880  }
0x3c: {  	[tilespmem:s12], [sflag:$0x6] =	stream.indirect.gather [hbm4b:s3+s13], $0x80, s23, s13, $0xb8;
	[tilespmem:$0x18080] =	vst v63  }
0x3d: {  	_ =	swait.ge [sflag:s16], $0x6400  }
0x3e: {  	[sflag:s16] =	ssyncset.done $0x0  }
0x3f: {  	s1 =	rddreg [dreg:$0xa];
	[sflag:s16] =	ssyncadd.s32 $0xFFFF9C00  }
0x40: {  	[hbm4b:s1+s2] =	stream.linear.scatter [tilespmem:s14], [sflag:$0x8], $0x6400, $0x38;
	[tilespmem:$0x18080] =	vst v63  }
0x41: {  	_ =	swait.ge [sflag:s5], $0x6400  }
0x42: {  	[sflag:s5] =	ssyncset.done $0x0  }
0x43: {  	s1 =	simm.s32 $0xA70;
	[sflag:s5] =	ssyncadd.s32 $0xFFFF9C00  }
0x44: {  	[tilespmem:s6], [sflag:$0x4] =	stream.indirect.gather [hbm4b:s3+s13], $0x80, s1, s13, $0xb8;
	[tilespmem:$0x18080] =	vst v63  }
0x45: {  	_ =	swait.ge [sflag:s15], $0x7800  }
0x46: {  	[sflag:s15] =	ssyncset.done $0x0  }
0x47: {  	s1 =	rddreg [dreg:$0xb];
	[sflag:s15] =	ssyncadd.s32 $0xFFFF8800  }
0x48: {  	[hbm4b:s1+s2] =	stream.linear.scatter [tilespmem:s12], [sflag:$0x9], $0x7800, $0x38;
	[tilespmem:$0x18080] =	vst v63  }
0x49: {  	_ =	swait.ge [sflag:s10], $0x6400  }
0x4a: {  	[sflag:s10] =	ssyncset.done $0x0  }
0x4b: {  	[sflag:s10] =	ssyncadd.s32 $0xFFFF9C00  }
0x4c: {  	[tilespmem:s14], [sflag:$0x5] =	stream.indirect.gather [hbm4b:s3+s13], $0x80, s24, s13, $0xb8;
	[tilespmem:$0x18080] =	vst v63  }
0x4d: {  	_ =	swait.ge [sflag:s7], $0x7800  }
0x4e: {  	[sflag:s7] =	ssyncset.done $0x0  }
0x4f: {  	s1 =	rddreg [dreg:$0xc];
	[sflag:s7] =	ssyncadd.s32 $0xFFFF8800  }
0x50: {  	[hbm4b:s1+s2] =	stream.linear.scatter [tilespmem:s6], [sflag:$0x7], $0x7800, $0x38;
	[tilespmem:$0x18080] =	vst v63  }
0x51: {  	_ =	swait.ge [sflag:s9], $0x7800  }
0x52: {  	[sflag:s9] =	ssyncset.done $0x0  }
0x53: {  	[sflag:s9] =	ssyncadd.s32 $0xFFFF8800  }
0x54: {  	[tilespmem:s12], [sflag:$0x6] =	stream.indirect.gather [hbm4b:s3+s13], $0x80, s22, s13, $0xb8;
	[tilespmem:$0x18080] =	vst v63  }
0x55: {  	_ =	swait.ge [sflag:s16], $0x7800  }
0x56: {  	[sflag:s16] =	ssyncset.done $0x0  }
0x57: {  	s1 =	rddreg [dreg:$0xd];
	[sflag:s16] =	ssyncadd.s32 $0xFFFF8800  }
0x58: {  	[hbm4b:s1+s2] =	stream.linear.scatter [tilespmem:s14], [sflag:$0x8], $0x7800, $0x38;
	[tilespmem:$0x18080] =	vst v63  }
0x59: {  	_ =	swait.ge [sflag:s5], $0x7800  }
0x5a: {  	[sflag:s5] =	ssyncset.done $0x0  }
0x5b: {  	[sflag:s5] =	ssyncadd.s32 $0xFFFF8800  }
0x5c: {  	[tilespmem:s6], [sflag:$0x4] =	stream.indirect.gather [hbm4b:s3+s13], $0x80, s21, s13, $0xb8;
	[tilespmem:$0x18080] =	vst v63  }
0x5d: {  	_ =	swait.ge [sflag:s15], $0x7800  }
0x5e: {  	[sflag:s15] =	ssyncset.done $0x0  }
0x5f: {  	s1 =	rddreg [dreg:$0xe];
	[sflag:s15] =	ssyncadd.s32 $0xFFFF8800  }
0x60: {  	[hbm4b:s1+s2] =	stream.linear.scatter [tilespmem:s12], [sflag:$0x9], $0x7800, $0x38;
	[tilespmem:$0x18080] =	vst v63  }
0x61: {  	_ =	swait.ge [sflag:s10], $0x7800  }
0x62: {  	[sflag:s10] =	ssyncset.done $0x0  }
0x63: {  	[sflag:s10] =	ssyncadd.s32 $0xFFFF8800  }
0x64: {  	[tilespmem:s14], [sflag:$0x5] =	stream.indirect.gather [hbm4b:s3+s13], $0x80, s20, s13, $0xb8;
	[tilespmem:$0x18080] =	vst v63  }
0x65: {  	_ =	swait.ge [sflag:s7], $0x7800  }
0x66: {  	[sflag:s7] =	ssyncset.done $0x0  }
0x67: {  	s1 =	rddreg [dreg:$0xf];
	[sflag:s7] =	ssyncadd.s32 $0xFFFF8800  }
0x68: {  	[hbm4b:s1+s2] =	stream.linear.scatter [tilespmem:s6], [sflag:$0x7], $0x7800, $0x38;
	[tilespmem:$0x18080] =	vst v63  }
0x69: {  	_ =	swait.ge [sflag:s9], $0x7800  }
0x6a: {  	[sflag:s9] =	ssyncset.done $0x0  }
0x6b: {  	[sflag:s9] =	ssyncadd.s32 $0xFFFF8800  }
0x6c: {  	[tilespmem:s12], [sflag:$0x6] =	stream.indirect.gather [hbm4b:s3+s13], $0x80, s19, s13, $0xb8;
	[tilespmem:$0x18080] =	vst v63  }
0x6d: {  	_ =	swait.ge [sflag:s16], $0x7800  }
0x6e: {  	[sflag:s16] =	ssyncset.done $0x0  }
0x6f: {  	s1 =	rddreg [dreg:$0x10];
	[sflag:s16] =	ssyncadd.s32 $0xFFFF8800  }
0x70: {  	[hbm4b:s1+s2] =	stream.linear.scatter [tilespmem:s14], [sflag:$0x8], $0x7800, $0x38;
	[tilespmem:$0x18080] =	vst v63  }
0x71: {  	_ =	swait.ge [sflag:s5], $0x7800  }
0x72: {  	[sflag:s5] =	ssyncset.done $0x0  }
0x73: {  	[sflag:s5] =	ssyncadd.s32 $0xFFFF8800  }
0x74: {  	[tilespmem:s6], [sflag:$0x4] =	stream.indirect.gather [hbm4b:s3+s13], $0x80, s18, s13, $0xb8;
	[tilespmem:$0x18080] =	vst v63  }
0x75: {  	_ =	swait.ge [sflag:s15], $0x7800  }
0x76: {  	[sflag:s15] =	ssyncset.done $0x0  }
0x77: {  	s1 =	rddreg [dreg:$0x11];
	[sflag:s15] =	ssyncadd.s32 $0xFFFF8800  }
0x78: {  	[hbm4b:s1+s2] =	stream.linear.scatter [tilespmem:s12], [sflag:$0x9], $0x7800, $0x38;
	[tilespmem:$0x18080] =	vst v63  }
0x79: {  	_ =	swait.ge [sflag:s7], $0x7800  }
0x7a: {  	[sflag:s7] =	ssyncset.done $0x0  }
0x7b: {  	s1 =	rddreg [dreg:$0x12];
	[sflag:s7] =	ssyncadd.s32 $0xFFFF8800  }
0x7c: {  	[hbm4b:s1+s2] =	stream.linear.scatter [tilespmem:s6], [sflag:$0x7], $0x7800, $0x38;
	[tilespmem:$0x18080] =	vst v63  }
0x7d: {  	_ =	swait.ge [sflag:s10], $0x7800  }
0x7e: {  	[sflag:s10] =	ssyncset.done $0x0  }
0x7f: {  	[sflag:s10] =	ssyncadd.s32 $0xFFFF8800  }
0x80: {  	_ =	swait.ge [sflag:s9], $0x7800  }
0x81: {  	[sflag:s9] =	ssyncset.done $0x0  }
0x82: {  	[sflag:s9] =	ssyncadd.s32 $0xFFFF8800  }
0x83: {  	_ =	swait.ge [sflag:s5], $0x7800  }
0x84: {  	[sflag:s5] =	ssyncset.done $0x0  }
0x85: {  	[sflag:s5] =	ssyncadd.s32 $0xFFFF8800  }
0x86: {  	p1 =	sne.s32 s17, $0x1;
	_ =	swait.ge [sflag:s11], $0x780  }
.Ltmp1:
0x87: {  	[sflag:s11] =	ssyncset.done $0x0;
	(pc) =	sbr.rel @!p1 .LBB2_3-.Ltmp1, $4  }
0x88: {  	s1 =	rddreg [dreg:$0x13];
	[sflag:s11] =	ssyncadd.s32 $0xFFFFF880  }
0x89: {  	[hbm4b:s1+s2] =	stream.linear.scatter [tilespmem:s4], [sflag:$0xA], $0x780, $0x38;
	[tilespmem:$0x18080] =	vst v63  }
0x8a: {  	p0 =	por $0x1, $0x1;
	_ =	swait.ge [sflag:s8], $0x780  }
0x8b: {  	s1 =	sadd.s32 $0xFFFFFFFF, s17;
	s0 =	rddreg [dreg:$0x6];
	[sflag:s8] =	ssyncset.done $0x0  }
.LBB2_4:
0x8c: {  	[sflag:s8] =	ssyncadd.s32 $0xFFFFF880  }
0x8d: {  	[tilespmem:s2], [sflag:$0x1] =	stream.linear.gather [hbm4b:s0+s2], $0xC8, $0x38;
	[tilespmem:$0x18080] =	vst v63  }
0x8e: {  	s17 =	rddreg [dreg:$0x7]  }
0x8f: {  	[tilespmem:s25], [sflag:$0x1] =	stream.linear.gather [hbm4b:s17+s2], $0xC8, $0x38;
	[tilespmem:$0x18080] =	vst v63  }
0x90: {  	s0 =	rddreg [dreg:$0x8]  }
0x91: {  	[tilespmem:s28], [sflag:$0x1] =	stream.linear.gather [hbm4b:s0+s2], $0x780, $0x38;
	[tilespmem:$0x18080] =	vst v63  }
0x92: {  	_ =	swait.ge [sflag:s31], $0xC8  }
0x93: {  	[sflag:s31] =	ssyncset.done $0x0  }
0x94: {  	[sflag:s31] =	ssyncadd.s32 $0xFFFFFF38  }
0x95: {  	_ =	swait.ge [sflag:s31], $0xC8  }
0x96: {  	[sflag:s31] =	ssyncset.done $0x0  }
0x97: {  	[sflag:s31] =	ssyncadd.s32 $0xFFFFFF38  }
0x98: {  	_ =	swait.ge [sflag:s31], $0x780  }
0x99: {  	[sflag:s31] =	ssyncset.done $0x0  }
0x9a: {  	s0 =	rddreg [dreg:$0x4];
	[sflag:s31] =	ssyncadd.s32 $0xFFFFF880  }
0x9b: {  	[tilespmem:s23], [sflag:$0x2] =	stream.indirect.gather [hbm4b:s0+s29], $0x1, s28, s29, $0xb8;
	[tilespmem:$0x18080] =	vst v63  }
0x9c: {  	s17 =	rddreg [dreg:$0x5]  }
0x9d: {  	[tilespmem:s4], [sflag:$0x3] =	stream.indirect.gather [hbm4b:s17+s29], $0x1, s28, s29, $0xb8;
	[tilespmem:$0x18080] =	vst v63  }
0x9e: {  	_ = 	snop  }
0x9f: {  	[tilespmem:s6], [sflag:$0x4] =	stream.indirect.gather [hbm4b:s3+s30], $0x80, s2, s30, $0xb8;
	[tilespmem:$0x18080] =	vst v63  }
0xa0: {  	_ = 	snop  }
0xa1: {  	[tilespmem:s14], [sflag:$0x5] =	stream.indirect.gather [hbm4b:s3+s30], $0x80, s25, s30, $0xb8;
	[tilespmem:$0x18080] =	vst v63  }
0xa2: {  	_ =	swait.ge [sflag:s7], $0x6400  }
0xa3: {  	[sflag:s7] =	ssyncset.done $0x0  }
0xa4: {  	s17 =	rddreg [dreg:$0x9];
	[sflag:s7] =	ssyncadd.s32 $0xFFFF9C00  }
0xa5: {  	[hbm4b:s17+s2] =	stream.linear.scatter [tilespmem:s6], [sflag:$0x7], $0x6400, $0x38;
	[tilespmem:$0x18080] =	vst v63  }
0xa6: {  	_ =	swait.ge [sflag:s26], $0x780  }
0xa7: {  	[sflag:s26] =	ssyncset.done $0x0  }
0xa8: {  	[sflag:s26] =	ssyncadd.s32 $0xFFFFF880  }
0xa9: {  	[tilespmem:s12], [sflag:$0x6] =	stream.indirect.gather [hbm4b:s3+s13], $0x80, s23, s13, $0xb8;
	[tilespmem:$0x18080] =	vst v63  }
0xaa: {  	_ =	swait.ge [sflag:s16], $0x6400  }
0xab: {  	[sflag:s16] =	ssyncset.done $0x0  }
0xac: {  	s17 =	rddreg [dreg:$0xa];
	[sflag:s16] =	ssyncadd.s32 $0xFFFF9C00  }
0xad: {  	[hbm4b:s17+s2] =	stream.linear.scatter [tilespmem:s14], [sflag:$0x8], $0x6400, $0x38;
	[tilespmem:$0x18080] =	vst v63  }
0xae: {  	_ =	swait.ge [sflag:s5], $0x6400  }
0xaf: {  	[sflag:s5] =	ssyncset.done $0x0  }
0xb0: {  	s17 =	simm.s32 $0xA70;
	[sflag:s5] =	ssyncadd.s32 $0xFFFF9C00  }
0xb1: {  	[tilespmem:s6], [sflag:$0x4] =	stream.indirect.gather [hbm4b:s3+s13], $0x80, s17, s13, $0xb8;
	[tilespmem:$0x18080] =	vst v63  }
0xb2: {  	_ =	swait.ge [sflag:s15], $0x7800  }
0xb3: {  	[sflag:s15] =	ssyncset.done $0x0  }
0xb4: {  	s17 =	rddreg [dreg:$0xb];
	[sflag:s15] =	ssyncadd.s32 $0xFFFF8800  }
0xb5: {  	[hbm4b:s17+s2] =	stream.linear.scatter [tilespmem:s12], [sflag:$0x9], $0x7800, $0x38;
	[tilespmem:$0x18080] =	vst v63  }
0xb6: {  	_ =	swait.ge [sflag:s10], $0x6400  }
0xb7: {  	[sflag:s10] =	ssyncset.done $0x0  }
0xb8: {  	[sflag:s10] =	ssyncadd.s32 $0xFFFF9C00  }
0xb9: {  	[tilespmem:s14], [sflag:$0x5] =	stream.indirect.gather [hbm4b:s3+s13], $0x80, s24, s13, $0xb8;
	[tilespmem:$0x18080] =	vst v63  }
0xba: {  	_ =	swait.ge [sflag:s7], $0x7800  }
0xbb: {  	[sflag:s7] =	ssyncset.done $0x0  }
0xbc: {  	s17 =	rddreg [dreg:$0xc];
	[sflag:s7] =	ssyncadd.s32 $0xFFFF8800  }
0xbd: {  	[hbm4b:s17+s2] =	stream.linear.scatter [tilespmem:s6], [sflag:$0x7], $0x7800, $0x38;
	[tilespmem:$0x18080] =	vst v63  }
0xbe: {  	_ =	swait.ge [sflag:s9], $0x7800  }
0xbf: {  	[sflag:s9] =	ssyncset.done $0x0  }
0xc0: {  	[sflag:s9] =	ssyncadd.s32 $0xFFFF8800  }
0xc1: {  	[tilespmem:s12], [sflag:$0x6] =	stream.indirect.gather [hbm4b:s3+s13], $0x80, s22, s13, $0xb8;
	[tilespmem:$0x18080] =	vst v63  }
0xc2: {  	_ =	swait.ge [sflag:s16], $0x7800  }
0xc3: {  	[sflag:s16] =	ssyncset.done $0x0  }
0xc4: {  	s17 =	rddreg [dreg:$0xd];
	[sflag:s16] =	ssyncadd.s32 $0xFFFF8800  }
0xc5: {  	[hbm4b:s17+s2] =	stream.linear.scatter [tilespmem:s14], [sflag:$0x8], $0x7800, $0x38;
	[tilespmem:$0x18080] =	vst v63  }
0xc6: {  	_ =	swait.ge [sflag:s5], $0x7800  }
0xc7: {  	[sflag:s5] =	ssyncset.done $0x0  }
0xc8: {  	[sflag:s5] =	ssyncadd.s32 $0xFFFF8800  }
0xc9: {  	[tilespmem:s6], [sflag:$0x4] =	stream.indirect.gather [hbm4b:s3+s13], $0x80, s21, s13, $0xb8;
	[tilespmem:$0x18080] =	vst v63  }
0xca: {  	_ =	swait.ge [sflag:s15], $0x7800  }
0xcb: {  	[sflag:s15] =	ssyncset.done $0x0  }
0xcc: {  	s17 =	rddreg [dreg:$0xe];
	[sflag:s15] =	ssyncadd.s32 $0xFFFF8800  }
0xcd: {  	[hbm4b:s17+s2] =	stream.linear.scatter [tilespmem:s12], [sflag:$0x9], $0x7800, $0x38;
	[tilespmem:$0x18080] =	vst v63  }
0xce: {  	_ =	swait.ge [sflag:s10], $0x7800  }
0xcf: {  	[sflag:s10] =	ssyncset.done $0x0  }
0xd0: {  	[sflag:s10] =	ssyncadd.s32 $0xFFFF8800  }
0xd1: {  	[tilespmem:s14], [sflag:$0x5] =	stream.indirect.gather [hbm4b:s3+s13], $0x80, s20, s13, $0xb8;
	[tilespmem:$0x18080] =	vst v63  }
0xd2: {  	_ =	swait.ge [sflag:s7], $0x7800  }
0xd3: {  	[sflag:s7] =	ssyncset.done $0x0  }
0xd4: {  	s17 =	rddreg [dreg:$0xf];
	[sflag:s7] =	ssyncadd.s32 $0xFFFF8800  }
0xd5: {  	[hbm4b:s17+s2] =	stream.linear.scatter [tilespmem:s6], [sflag:$0x7], $0x7800, $0x38;
	[tilespmem:$0x18080] =	vst v63  }
0xd6: {  	_ =	swait.ge [sflag:s9], $0x7800  }
0xd7: {  	[sflag:s9] =	ssyncset.done $0x0  }
0xd8: {  	[sflag:s9] =	ssyncadd.s32 $0xFFFF8800  }
0xd9: {  	[tilespmem:s12], [sflag:$0x6] =	stream.indirect.gather [hbm4b:s3+s13], $0x80, s19, s13, $0xb8;
	[tilespmem:$0x18080] =	vst v63  }
0xda: {  	_ =	swait.ge [sflag:s16], $0x7800  }
0xdb: {  	[sflag:s16] =	ssyncset.done $0x0  }
0xdc: {  	s17 =	rddreg [dreg:$0x10];
	[sflag:s16] =	ssyncadd.s32 $0xFFFF8800  }
0xdd: {  	[hbm4b:s17+s2] =	stream.linear.scatter [tilespmem:s14], [sflag:$0x8], $0x7800, $0x38;
	[tilespmem:$0x18080] =	vst v63  }
0xde: {  	_ =	swait.ge [sflag:s5], $0x7800  }
0xdf: {  	[sflag:s5] =	ssyncset.done $0x0  }
0xe0: {  	[sflag:s5] =	ssyncadd.s32 $0xFFFF8800  }
0xe1: {  	[tilespmem:s6], [sflag:$0x4] =	stream.indirect.gather [hbm4b:s3+s13], $0x80, s18, s13, $0xb8;
	[tilespmem:$0x18080] =	vst v63  }
0xe2: {  	_ =	swait.ge [sflag:s15], $0x7800  }
0xe3: {  	[sflag:s15] =	ssyncset.done $0x0  }
0xe4: {  	s17 =	rddreg [dreg:$0x11];
	[sflag:s15] =	ssyncadd.s32 $0xFFFF8800  }
0xe5: {  	[hbm4b:s17+s2] =	stream.linear.scatter [tilespmem:s12], [sflag:$0x9], $0x7800, $0x38;
	[tilespmem:$0x18080] =	vst v63  }
0xe6: {  	_ =	swait.ge [sflag:s7], $0x7800  }
0xe7: {  	[sflag:s7] =	ssyncset.done $0x0  }
0xe8: {  	s17 =	rddreg [dreg:$0x12];
	[sflag:s7] =	ssyncadd.s32 $0xFFFF8800  }
0xe9: {  	[hbm4b:s17+s2] =	stream.linear.scatter [tilespmem:s6], [sflag:$0x7], $0x7800, $0x38;
	[tilespmem:$0x18080] =	vst v63  }
0xea: {  	_ =	swait.ge [sflag:s10], $0x7800  }
0xeb: {  	[sflag:s10] =	ssyncset.done $0x0  }
0xec: {  	[sflag:s10] =	ssyncadd.s32 $0xFFFF8800  }
0xed: {  	_ =	swait.ge [sflag:s9], $0x7800  }
0xee: {  	[sflag:s9] =	ssyncset.done $0x0  }
0xef: {  	[sflag:s9] =	ssyncadd.s32 $0xFFFF8800  }
0xf0: {  	_ =	swait.ge [sflag:s5], $0x7800  }
0xf1: {  	[sflag:s5] =	ssyncset.done $0x0  }
0xf2: {  	[sflag:s5] =	ssyncadd.s32 $0xFFFF8800  }
0xf3: {  	p1 =	sne.s32 s1, $0x1;
	_ =	swait.ge [sflag:s11], $0x780  }
.Ltmp2:
0xf4: {  	[sflag:s11] =	ssyncset.done $0x0;
	(pc) =	sbr.rel @p1 .LBB2_4-.Ltmp2, $4  }
0xf5: {  	s17 =	rddreg [dreg:$0x13];
	[sflag:s11] =	ssyncadd.s32 $0xFFFFF880  }
0xf6: {  	[hbm4b:s17+s2] =	stream.linear.scatter [tilespmem:s4], [sflag:$0xA], $0x780, $0x38;
	[tilespmem:$0x18080] =	vst v63  }
0xf7: {  	_ =	swait.ge [sflag:s8], $0x780  }
0xf8: {  	s1 =	sadd.s32 $0xFFFFFFFF, s1;
	s0 =	rddreg [dreg:$0x6];
	[sflag:s8] =	ssyncset.done $0x0  }
0xf9: {  	s18 =	simm.s32 $0xA70  }
0xfa: {  	s24 =	simm.s32 $0xB60;
	s22 =	simm.s32 $0xC50;
	s21 =	simm.s32 $0xD40  }
0xfb: {  	s20 =	simm.s32 $0xE30;
	s19 =	simm.s32 $0xF20;
	s17 =	stileid.u32  }
.LBB2_6:
0xfc: {  	[sflag:s8] =	ssyncadd.s32 @p0 $0xFFFFF880  }
0xfd: {  	[tilespmem:s2], [sflag:$0x1] =	stream.linear.gather [hbm4b:s0+s2], $0xC8, $0x38;
	[tilespmem:$0x18080] =	vst v63  }
0xfe: {  	s1 =	rddreg [dreg:$0x7]  }
0xff: {  	[tilespmem:s25], [sflag:$0x1] =	stream.linear.gather [hbm4b:s1+s2], $0xC8, $0x38;
	[tilespmem:$0x18080] =	vst v63  }
0x100: {  	s0 =	rddreg [dreg:$0x8]  }
0x101: {  	[tilespmem:s28], [sflag:$0x1] =	stream.linear.gather [hbm4b:s0+s2], $0x780, $0x38;
	[tilespmem:$0x18080] =	vst v63  }
0x102: {  	_ =	swait.ge [sflag:s31], $0xC8  }
0x103: {  	[sflag:s31] =	ssyncset.done $0x0  }
0x104: {  	[sflag:s31] =	ssyncadd.s32 $0xFFFFFF38  }
0x105: {  	_ =	swait.ge [sflag:s31], $0xC8  }
0x106: {  	[sflag:s31] =	ssyncset.done $0x0  }
0x107: {  	[sflag:s31] =	ssyncadd.s32 $0xFFFFFF38  }
0x108: {  	_ =	swait.ge [sflag:s31], $0x780  }
0x109: {  	[sflag:s31] =	ssyncset.done $0x0  }
0x10a: {  	s1 =	rddreg [dreg:$0x4];
	[sflag:s31] =	ssyncadd.s32 $0xFFFFF880  }
0x10b: {  	[tilespmem:s23], [sflag:$0x2] =	stream.indirect.gather [hbm4b:s1+s29], $0x1, s28, s29, $0xb8;
	[tilespmem:$0x18080] =	vst v63  }
0x10c: {  	s31 =	rddreg [dreg:$0x5]  }
0x10d: {  	[tilespmem:s4], [sflag:$0x3] =	stream.indirect.gather [hbm4b:s31+s29], $0x1, s28, s29, $0xb8;
	[tilespmem:$0x18080] =	vst v63  }
0x10e: {  	_ = 	snop  }
0x10f: {  	[tilespmem:s6], [sflag:$0x4] =	stream.indirect.gather [hbm4b:s3+s30], $0x80, s2, s30, $0xb8;
	[tilespmem:$0x18080] =	vst v63  }
0x110: {  	_ = 	snop  }
0x111: {  	[tilespmem:s14], [sflag:$0x5] =	stream.indirect.gather [hbm4b:s3+s30], $0x80, s25, s30, $0xb8;
	[tilespmem:$0x18080] =	vst v63  }
0x112: {  	_ =	swait.ge [sflag:s7], $0x6400  }
0x113: {  	[sflag:s7] =	ssyncset.done $0x0  }
0x114: {  	s30 =	rddreg [dreg:$0x9];
	[sflag:s7] =	ssyncadd.s32 $0xFFFF9C00  }
0x115: {  	[hbm4b:s30+s2] =	stream.linear.scatter [tilespmem:s6], [sflag:$0x7], $0x6400, $0x38;
	[tilespmem:$0x18080] =	vst v63  }
0x116: {  	_ =	swait.ge [sflag:s26], $0x780  }
0x117: {  	[sflag:s26] =	ssyncset.done $0x0  }
0x118: {  	[sflag:s26] =	ssyncadd.s32 $0xFFFFF880  }
0x119: {  	[tilespmem:s12], [sflag:$0x6] =	stream.indirect.gather [hbm4b:s3+s13], $0x80, s23, s13, $0xb8;
	[tilespmem:$0x18080] =	vst v63  }
0x11a: {  	_ =	swait.ge [sflag:s16], $0x6400  }
0x11b: {  	[sflag:s16] =	ssyncset.done $0x0  }
0x11c: {  	s31 =	rddreg [dreg:$0xa];
	[sflag:s16] =	ssyncadd.s32 $0xFFFF9C00  }
0x11d: {  	[hbm4b:s31+s2] =	stream.linear.scatter [tilespmem:s14], [sflag:$0x8], $0x6400, $0x38;
	[tilespmem:$0x18080] =	vst v63  }
0x11e: {  	_ =	swait.ge [sflag:s5], $0x6400  }
0x11f: {  	[sflag:s5] =	ssyncset.done $0x0  }
0x120: {  	[sflag:s5] =	ssyncadd.s32 $0xFFFF9C00  }
0x121: {  	[tilespmem:s6], [sflag:$0x4] =	stream.indirect.gather [hbm4b:s3+s13], $0x80, s18, s13, $0xb8;
	[tilespmem:$0x18080] =	vst v63  }
0x122: {  	_ =	swait.ge [sflag:s15], $0x7800  }
0x123: {  	[sflag:s15] =	ssyncset.done $0x0  }
0x124: {  	s1 =	rddreg [dreg:$0xb];
	[sflag:s15] =	ssyncadd.s32 $0xFFFF8800  }
0x125: {  	[hbm4b:s1+s2] =	stream.linear.scatter [tilespmem:s12], [sflag:$0x9], $0x7800, $0x38;
	[tilespmem:$0x18080] =	vst v63  }
0x126: {  	_ =	swait.ge [sflag:s10], $0x6400  }
0x127: {  	[sflag:s10] =	ssyncset.done $0x0  }
0x128: {  	[sflag:s10] =	ssyncadd.s32 $0xFFFF9C00  }
0x129: {  	[tilespmem:s14], [sflag:$0x5] =	stream.indirect.gather [hbm4b:s3+s13], $0x80, s24, s13, $0xb8;
	[tilespmem:$0x18080] =	vst v63  }
0x12a: {  	_ =	swait.ge [sflag:s7], $0x7800  }
0x12b: {  	[sflag:s7] =	ssyncset.done $0x0  }
0x12c: {  	s18 =	rddreg [dreg:$0xc];
	[sflag:s7] =	ssyncadd.s32 $0xFFFF8800  }
0x12d: {  	[hbm4b:s18+s2] =	stream.linear.scatter [tilespmem:s6], [sflag:$0x7], $0x7800, $0x38;
	[tilespmem:$0x18080] =	vst v63  }
0x12e: {  	_ =	swait.ge [sflag:s9], $0x7800  }
0x12f: {  	[sflag:s9] =	ssyncset.done $0x0  }
0x130: {  	[sflag:s9] =	ssyncadd.s32 $0xFFFF8800  }
0x131: {  	[tilespmem:s12], [sflag:$0x6] =	stream.indirect.gather [hbm4b:s3+s13], $0x80, s22, s13, $0xb8;
	[tilespmem:$0x18080] =	vst v63  }
0x132: {  	_ =	swait.ge [sflag:s16], $0x7800  }
0x133: {  	[sflag:s16] =	ssyncset.done $0x0  }
0x134: {  	s23 =	rddreg [dreg:$0xd];
	[sflag:s16] =	ssyncadd.s32 $0xFFFF8800  }
0x135: {  	[hbm4b:s23+s2] =	stream.linear.scatter [tilespmem:s14], [sflag:$0x8], $0x7800, $0x38;
	[tilespmem:$0x18080] =	vst v63  }
0x136: {  	_ =	swait.ge [sflag:s5], $0x7800  }
0x137: {  	[sflag:s5] =	ssyncset.done $0x0  }
0x138: {  	[sflag:s5] =	ssyncadd.s32 $0xFFFF8800  }
0x139: {  	[tilespmem:s6], [sflag:$0x4] =	stream.indirect.gather [hbm4b:s3+s13], $0x80, s21, s13, $0xb8;
	[tilespmem:$0x18080] =	vst v63  }
0x13a: {  	_ =	swait.ge [sflag:s15], $0x7800  }
0x13b: {  	[sflag:s15] =	ssyncset.done $0x0  }
0x13c: {  	s24 =	rddreg [dreg:$0xe];
	[sflag:s15] =	ssyncadd.s32 $0xFFFF8800  }
0x13d: {  	[hbm4b:s24+s2] =	stream.linear.scatter [tilespmem:s12], [sflag:$0x9], $0x7800, $0x38;
	[tilespmem:$0x18080] =	vst v63  }
0x13e: {  	_ =	swait.ge [sflag:s10], $0x7800  }
0x13f: {  	[sflag:s10] =	ssyncset.done $0x0  }
0x140: {  	[sflag:s10] =	ssyncadd.s32 $0xFFFF8800  }
0x141: {  	[tilespmem:s14], [sflag:$0x5] =	stream.indirect.gather [hbm4b:s3+s13], $0x80, s20, s13, $0xb8;
	[tilespmem:$0x18080] =	vst v63  }
0x142: {  	_ =	swait.ge [sflag:s7], $0x7800  }
0x143: {  	[sflag:s7] =	ssyncset.done $0x0  }
0x144: {  	s25 =	rddreg [dreg:$0xf];
	[sflag:s7] =	ssyncadd.s32 $0xFFFF8800  }
0x145: {  	[hbm4b:s25+s2] =	stream.linear.scatter [tilespmem:s6], [sflag:$0x7], $0x7800, $0x38;
	[tilespmem:$0x18080] =	vst v63  }
0x146: {  	_ =	swait.ge [sflag:s9], $0x7800  }
0x147: {  	[sflag:s9] =	ssyncset.done $0x0  }
0x148: {  	[sflag:s9] =	ssyncadd.s32 $0xFFFF8800  }
0x149: {  	[tilespmem:s12], [sflag:$0x6] =	stream.indirect.gather [hbm4b:s3+s13], $0x80, s19, s13, $0xb8;
	[tilespmem:$0x18080] =	vst v63  }
0x14a: {  	_ =	swait.ge [sflag:s16], $0x7800  }
0x14b: {  	[sflag:s16] =	ssyncset.done $0x0  }
0x14c: {  	s26 =	rddreg [dreg:$0x10];
	[sflag:s16] =	ssyncadd.s32 $0xFFFF8800  }
0x14d: {  	[hbm4b:s26+s2] =	stream.linear.scatter [tilespmem:s14], [sflag:$0x8], $0x7800, $0x38;
	[tilespmem:$0x18080] =	vst v63  }
0x14e: {  	_ =	swait.ge [sflag:s5], $0x7800  }
0x14f: {  	[sflag:s5] =	ssyncset.done $0x0  }
0x150: {  	s28 =	simm.s32 $0x1010;
	[sflag:s5] =	ssyncadd.s32 $0xFFFF8800  }
0x151: {  	[tilespmem:s6], [sflag:$0x4] =	stream.indirect.gather [hbm4b:s3+s13], $0x80, s28, s13, $0xb8;
	[tilespmem:$0x18080] =	vst v63  }
0x152: {  	_ =	swait.ge [sflag:s15], $0x7800  }
0x153: {  	[sflag:s15] =	ssyncset.done $0x0  }
0x154: {  	s29 =	rddreg [dreg:$0x11];
	[sflag:s15] =	ssyncadd.s32 $0xFFFF8800  }
0x155: {  	[hbm4b:s29+s2] =	stream.linear.scatter [tilespmem:s12], [sflag:$0x9], $0x7800, $0x38;
	[tilespmem:$0x18080] =	vst v63  }
0x156: {  	_ =	swait.ge [sflag:s7], $0x7800  }
0x157: {  	[sflag:s7] =	ssyncset.done $0x0  }
0x158: {  	s30 =	rddreg [dreg:$0x12];
	[sflag:s7] =	ssyncadd.s32 $0xFFFF8800  }
0x159: {  	[hbm4b:s30+s2] =	stream.linear.scatter [tilespmem:s6], [sflag:$0x7], $0x7800, $0x38;
	[tilespmem:$0x18080] =	vst v63  }
0x15a: {  	_ =	swait.ge [sflag:s10], $0x7800  }
0x15b: {  	[sflag:s10] =	ssyncset.done $0x0  }
0x15c: {  	[sflag:s10] =	ssyncadd.s32 $0xFFFF8800  }
0x15d: {  	_ =	swait.ge [sflag:s9], $0x7800  }
0x15e: {  	[sflag:s9] =	ssyncset.done $0x0  }
0x15f: {  	[sflag:s9] =	ssyncadd.s32 $0xFFFF8800  }
0x160: {  	_ =	swait.ge [sflag:s5], $0x7800  }
0x161: {  	[sflag:s5] =	ssyncset.done $0x0  }
0x162: {  	[sflag:s5] =	ssyncadd.s32 $0xFFFF8800  }
0x163: {  	_ =	swait.ge [sflag:s11], $0x780  }
0x164: {  	[sflag:s11] =	ssyncset.done $0x0  }
0x165: {  	s31 =	rddreg [dreg:$0x13];
	[sflag:s11] =	ssyncadd.s32 $0xFFFFF880  }
0x166: {  	[hbm4b:s31+s2] =	stream.linear.scatter [tilespmem:s4], [sflag:$0xA], $0x780, $0x38;
	[tilespmem:$0x18080] =	vst v63  }
0x167: {  	_ =	swait.ge [sflag:s8], $0x780  }
0x168: {  	[sflag:s8] =	ssyncset.done $0x0  }
0x169: {  	[sflag:s8] =	ssyncadd.s32 $0xFFFFF880  }
0x16a: {  	_ =	sfence.sel $0x180000  }
0x16b: {  	[bflag:$0x0] =	sbarrier.arrive $0xFFFF  }
0x16c: {  	_ =	strace $0x90000047  }
0x16d: {  	[bflag:$0x2] =	sbarrier.arrive $0xFFFF  }
0x16e: {  	p0 =	sne.s32 s17, $0x0;
	s0 =	rddreg [dreg:$0x3]  }
0x16f: {  	s0 =	sadd.s32 @!p0 $0x100000, s0  }
0x170: {  	[sflag:s0] =	ssyncadd.tile.s32 @!p0 $0x1;
	_ =	shalt  }
.LBB2_1:
.Ltmp3:
0x171: {  	(pc) =	sbr.rel .LBB2_6-.Ltmp3, $3  }
0x172: {  	_ =	sdelay $0x1  }
0x173: {  	s18 =	simm.s32 $0xA70;
	s24 =	simm.s32 $0xB60;
	s22 =	simm.s32 $0xC50  }
0x174: {  	s21 =	simm.s32 $0xD40;
	s20 =	simm.s32 $0xE30;
	s19 =	simm.s32 $0xF20  }
.LBB2_3:
.Ltmp4:
0x175: {  	(pc) =	sbr.rel .LBB2_6-.Ltmp4, $4  }
0x176: {  	_ = 	snop  }
0x177: {  	s18 =	simm.s32 $0xA70  }
0x178: {  	s24 =	simm.s32 $0xB60;
	s22 =	simm.s32 $0xC50;
	s21 =	simm.s32 $0xD40  }
0x179: {  	s20 =	simm.s32 $0xE30;
	s19 =	simm.s32 $0xF20;
	s17 =	stileid.u32  }
.Lfunc_end2:
_tile_overlayer_lowered:
.L_overlay_start_2:
0x17a: {  	(tag) =	ssettag $0x2  }
0x17b: {  	s0 =	rddreg [dreg:$0x0];
	s2 =	stileid.u32  }
0x17c: {  	s1 =	rddreg [dreg:$0x1];
	p0 =	sne.s32 s2, $0x0  }
0x17d: {  	s3 =	rddreg [dreg:$0x2];
	[bflag:$0x3] =	sbarrier.arrive $0xFFFF;
	s2 =	simm.s32 @!p0 $0x1C0A  }
0x17e: {  	[timem:s3], [sflag:s2] =	dma.local @!p0 [hbm:s0], s1  }
0x17f: {  	s0 =	simm.s32 @!p0 $0xA  }
0x180: {  	_ =	swait.ge @!p0 [sflag:s0], s1  }
0x181: {  	s1 =	ssub.s32 @!p0 $0x0, s1;
	[sflag:s0] =	ssyncset.done @!p0 $0x0  }
0x182: {  	[sflag:s0] =	ssyncadd.s32 @!p0 s1  }
0x183: {  	[bflag:$0x3] =	sbarrier.arrive $0xFFFF  }
0x184: {  	_ =	shalt  }

</sc_bundles>
